<compile_context>
chip_gen: v7x
topology: tpu7x:2x2x1
jax: 0.10.2.dev20260603
libtpu: 0.0.44.dev20260713+nightly
codegen_flags: <defaults>
</compile_context>

<pallas_src>
import functools

import jax
import jax.numpy as jnp
import numpy as np
from jax import lax
from jax.experimental import pallas as pl
from jax.experimental.pallas import tpu as pltpu
from jax.experimental.pallas import tpu_sc as plsc


def _positional_embedding(num_positions, m):
    pos = jnp.arange(num_positions, dtype=jnp.float32)
    exp = jnp.arange(m, dtype=jnp.float32) / m * jnp.log2(jnp.float32(10000.0))
    denom = jnp.exp2(exp)
    arg = pos[:, None] / denom[None, :]
    even = (jnp.arange(m) % 2) == 0
    return jnp.where(even[None, :], jnp.sin(arg), jnp.cos(arg))


@functools.partial(jax.jit, static_argnames=("ch",))
def _sc_embed(idx2, table, pos, *, ch):
    n_chunks = idx2.shape[0]
    t, m = table.shape
    c = pos.shape[0]
    info = plsc.get_sparse_core_info()
    nc, ns = info.num_cores, info.num_subcores
    nw = nc * ns
    cpw = n_chunks // nw
    n_groups = (cpw + 2) // 3
    scale = np.sqrt(np.float32(t)).astype(np.float32)
    mesh = plsc.VectorSubcoreMesh(core_axis_name="c", subcore_axis_name="s")

    @functools.partial(
        pl.kernel,
        mesh=mesh,
        out_type=jax.ShapeDtypeStruct((n_chunks, ch, m), jnp.float32),
        scratch_types=[
            pltpu.VMEM((cpw, ch), jnp.int32),
            pltpu.VMEM((c, m), jnp.float32),
            pltpu.VMEM((ch, m), jnp.float32),
            pltpu.VMEM((ch, m), jnp.float32),
            pltpu.VMEM((ch, m), jnp.float32),
            pltpu.VMEM((ch, m), jnp.float32),
            pltpu.VMEM((ch, m), jnp.float32),
            pltpu.VMEM((ch, m), jnp.float32),
            pltpu.SemaphoreType.DMA,
            pltpu.SemaphoreType.DMA,
            pltpu.SemaphoreType.DMA,
            pltpu.SemaphoreType.DMA,
            pltpu.SemaphoreType.DMA,
            pltpu.SemaphoreType.DMA,
        ],
    )
    def k(idx_hbm, table_hbm, pos_hbm, out_hbm, idx_v, pos_v,
          in0, in1, in2, ob0, ob1, ob2, g0, g1, g2, s0, s1, s2):
        inb = (in0, in1, in2)
        outb = (ob0, ob1, ob2)
        gsem = (g0, g1, g2)
        ssem = (s0, s1, s2)
        wid = lax.axis_index("s") * nc + lax.axis_index("c")
        base = wid * cpw
        pltpu.sync_copy(idx_hbm.at[pl.ds(base, cpw)], idx_v)
        pltpu.sync_copy(pos_hbm, pos_v)
        pltpu.async_copy(table_hbm.at[idx_v.at[0]], in0, g0)
        pltpu.async_copy(table_hbm.at[idx_v.at[1]], in1, g1)

        def slot(g, b):
            iv, ov = inb[b], outb[b]
            pltpu.make_async_copy(table_hbm.at[idx_v.at[g]], iv, gsem[b]).wait()

            @pl.when(g + 2 < cpw)
            def _():
                pltpu.async_copy(
                    table_hbm.at[idx_v.at[g + 2]], inb[(b + 2) % 3],
                    gsem[(b + 2) % 3])

            @pl.when(g >= 3)
            def _():
                pltpu.make_async_copy(ov, out_hbm.at[base + g - 3],
                                      ssem[b]).wait()

            poff = ((base + g) % (c // ch)) * ch

            def j_body(j, carry2):
                pj = poff + j
                sls = [pl.ds(l * 16, 16) for l in range(m // 16)]
                rowv = [iv[j, sl] for sl in sls]
                posv = [pos_v[pj, sl] for sl in sls]
                res = [r * scale + p for r, p in zip(rowv, posv)]
                for sl, x in zip(sls, res):
                    ov[j, sl] = x
                return carry2

            lax.fori_loop(0, ch, j_body, 0, unroll=2)
            pltpu.async_copy(ov, out_hbm.at[base + g], ssem[b])

        def group(p, carry):
            for b in range(3):
                g = p * 3 + b

                @pl.when(g < cpw)
                def _():
                    slot(g, b)
            return carry

        lax.fori_loop(0, n_groups, group, 0, unroll=1)
        for g in (cpw - 3, cpw - 2, cpw - 1):
            pltpu.make_async_copy(outb[g % 3], out_hbm.at[base + g],
                                  ssem[g % 3]).wait()

    return k(idx2, table, pos)


def kernel(input, table):
    b, c = input.shape
    t, m = table.shape
    ch = 100
    pos = _positional_embedding(c, m)
    idx2 = input.astype(jnp.int32).reshape(b * c // ch, ch)
    out = _sc_embed(idx2, table, pos, ch=ch)
    return out.reshape(b, c, m)

# --- scband reference (transcript-rebuilt; emitter-appended) ---
"""Pipeline reference for scband-input-embedding-31267361915284 (READ-ONLY COPY).

The authoritative reference and input builder live on the scoring server;
editing this copy changes nothing except your own understanding.
"""

import jax, jax.numpy as jnp
import numpy as np

T = 100000
M = 128
B = 1024
C = 200


def positional_embedding(num_positions, m):
    pos = jnp.arange(num_positions, dtype=jnp.float32)
    exp = jnp.arange(m, dtype=jnp.float32) / m * jnp.log2(jnp.float32(10000.0))
    denom = jnp.exp2(exp)
    arg = pos[:, None] / denom[None, :]
    even = (jnp.arange(m) % 2) == 0
    # torch fills even columns with sin(arg), odd columns with cos(arg)
    return jnp.where(even[None, :], jnp.sin(arg), jnp.cos(arg))


def setup_inputs(seed: int = 0) -> dict:
    key = jax.random.key(seed)
    k1, k2 = jax.random.split(key)
    inp = jax.random.randint(k1, (B, C), 0, T)
    table = jax.random.normal(k2, (T, M), dtype=jnp.float32)
    return {"input": inp, "table": table}


def reference(input, table):
    # input: int64[B, C]; table: float32[T, M] (nn.Embedding weight)
    c = input.shape[1]
    pos_emb = positional_embedding(c, table.shape[1])
    scale_factor = jnp.sqrt(jnp.float32(table.shape[0]))
    embed = jnp.take(table, input, axis=0) * scale_factor
    return embed + pos_emb[None, :, :]

if __name__ == "__main__":
    import jax
    _d = setup_inputs()
    print(jax.jit(kernel)(*tuple(_d.values())))

</pallas_src>

<mosaic_0001>
#map = affine_map<(d0, d1) -> (0, 0)>
#map1 = affine_map<(d0, d1) -> (0, 0, 0)>
module attributes {stable_mosaic.version = 14 : i64} {
  func.func @k(%arg0: i32, %arg1: i32, %arg2: memref<2048x100xi32, #tpu.memory_space<hbm>>, %arg3: memref<100000x128xf32, #tpu.memory_space<hbm>>, %arg4: memref<200x128xf32, #tpu.memory_space<hbm>>, %arg5: memref<2048x100x128xf32, #tpu.memory_space<hbm>>, %arg6: memref<64x100xi32, #tpu.memory_space<vmem>>, %arg7: memref<200x128xf32, #tpu.memory_space<vmem>>, %arg8: memref<100x128xf32, #tpu.memory_space<vmem>>, %arg9: memref<100x128xf32, #tpu.memory_space<vmem>>, %arg10: memref<100x128xf32, #tpu.memory_space<vmem>>, %arg11: memref<100x128xf32, #tpu.memory_space<vmem>>, %arg12: memref<100x128xf32, #tpu.memory_space<vmem>>, %arg13: memref<100x128xf32, #tpu.memory_space<vmem>>, %arg14: memref<!tpu.dma_semaphore, #tpu.memory_space<semaphore_mem>>, %arg15: memref<!tpu.dma_semaphore, #tpu.memory_space<semaphore_mem>>, %arg16: memref<!tpu.dma_semaphore, #tpu.memory_space<semaphore_mem>>, %arg17: memref<!tpu.dma_semaphore, #tpu.memory_space<semaphore_mem>>, %arg18: memref<!tpu.dma_semaphore, #tpu.memory_space<semaphore_mem>>, %arg19: memref<!tpu.dma_semaphore, #tpu.memory_space<semaphore_mem>>) attributes {dimension_semantics = [#tpu.dimension_semantics<core_parallel>, #tpu.dimension_semantics<subcore_parallel>], iteration_bounds = array<i64: 2, 16>, scalar_prefetch = 0 : i64, scratch_operands = 14 : i64, tpu.core_type = #tpu.core_type<sc_vector_subcore>, window_params = [{transform_indices = #map}, {transform_indices = #map}, {transform_indices = #map}, {transform_indices = #map1}]} {
    %mul3A = arith.constant 2 : i32
    %mul3A_0 = arith.muli %arg1, %mul3A : i32
    %add3A = arith.addi %mul3A_0, %arg0 : i32
    %mul3A_1 = arith.constant 64 : i32
    %mul3A_2 = arith.muli %add3A, %mul3A_1 : i32
    "tpu.region"() ({
      %run_scoped3A = tpu.sem_alloc : memref<!tpu.dma_semaphore, #tpu.memory_space<semaphore_mem>>
      %dma_start3A_50 = arith.constant 0 : i32
      %dma_start3A_51 = tpu.memref_slice %arg2[%mul3A_2, %dma_start3A_50] : memref<2048x100xi32, #tpu.memory_space<hbm>> -> memref<64x100xi32, #tpu.memory_space<hbm>>
      %dma_start3A_52 = arith.constant 0 : i32
      %dma_start3A_53 = tpu.memref_slice %arg2[%mul3A_2, %dma_start3A_52] : memref<2048x100xi32, #tpu.memory_space<hbm>> -> memref<64x100xi32, #tpu.memory_space<hbm>>
      tpu.enqueue_dma source(%dma_start3A_53 : memref<64x100xi32, #tpu.memory_space<hbm>>) target(%arg6 : memref<64x100xi32, #tpu.memory_space<vmem>>) target_semaphore(%run_scoped3A : memref<!tpu.dma_semaphore, #tpu.memory_space<semaphore_mem>>)
      %dma_wait3A_54 = arith.constant 0 : i32
      %dma_wait3A_55 = tpu.memref_slice %arg2[%mul3A_2, %dma_wait3A_54] : memref<2048x100xi32, #tpu.memory_space<hbm>> -> memref<64x100xi32, #tpu.memory_space<hbm>>
      %dma_wait3A_56 = arith.constant 0 : i32
      %dma_wait3A_57 = tpu.memref_slice %arg2[%mul3A_2, %dma_wait3A_56] : memref<2048x100xi32, #tpu.memory_space<hbm>> -> memref<64x100xi32, #tpu.memory_space<hbm>>
      tpu.wait_dma2 semaphore(%run_scoped3A : memref<!tpu.dma_semaphore, #tpu.memory_space<semaphore_mem>>) src(%dma_wait3A_57 : memref<64x100xi32, #tpu.memory_space<hbm>>) dst(%arg6 : memref<64x100xi32, #tpu.memory_space<vmem>>)
      tpu.yield
    }) : () -> ()
    "tpu.region"() ({
      %run_scoped3A = tpu.sem_alloc : memref<!tpu.dma_semaphore, #tpu.memory_space<semaphore_mem>>
      tpu.enqueue_dma source(%arg4 : memref<200x128xf32, #tpu.memory_space<hbm>>) target(%arg7 : memref<200x128xf32, #tpu.memory_space<vmem>>) target_semaphore(%run_scoped3A : memref<!tpu.dma_semaphore, #tpu.memory_space<semaphore_mem>>)
      tpu.wait_dma2 semaphore(%run_scoped3A : memref<!tpu.dma_semaphore, #tpu.memory_space<semaphore_mem>>) src(%arg4 : memref<200x128xf32, #tpu.memory_space<hbm>>) dst(%arg7 : memref<200x128xf32, #tpu.memory_space<vmem>>)
      tpu.yield
    }) : () -> ()
    %dma_start3A = arith.constant 0 : i32
    %dma_start3A_3 = arith.constant 0 : i32
    %dma_start3A_4 = tpu.memref_slice %arg6[%dma_start3A, %dma_start3A_3] : memref<64x100xi32, #tpu.memory_space<vmem>> -> memref<1x100xi32, #tpu.memory_space<vmem>>
    %dma_start3A_5 = tpu.memref_squeeze %dma_start3A_4 : memref<1x100xi32, #tpu.memory_space<vmem>> -> memref<100xi32, #tpu.memory_space<vmem>>
    %dma_start3A_6 = arith.constant 0 : i32
    %dma_start3A_7 = arith.constant 0 : i32
    %dma_start3A_8 = tpu.memref_slice %arg3[%dma_start3A_6, %dma_start3A_7] : memref<100000x128xf32, #tpu.memory_space<hbm>> -> memref<100000x128xf32, #tpu.memory_space<hbm>>
    tpu.enqueue_indirect_dma source(%dma_start3A_8 : memref<100000x128xf32, #tpu.memory_space<hbm>>) target(%arg8 : memref<100x128xf32, #tpu.memory_space<vmem>>) offsets(%dma_start3A_5 : memref<100xi32, #tpu.memory_space<vmem>>) semaphore(%arg14 : memref<!tpu.dma_semaphore, #tpu.memory_space<semaphore_mem>>)
    %dma_start3A_9 = arith.constant 1 : i32
    %dma_start3A_10 = arith.constant 0 : i32
    %dma_start3A_11 = tpu.memref_slice %arg6[%dma_start3A_9, %dma_start3A_10] : memref<64x100xi32, #tpu.memory_space<vmem>> -> memref<1x100xi32, #tpu.memory_space<vmem>>
    %dma_start3A_12 = tpu.memref_squeeze %dma_start3A_11 : memref<1x100xi32, #tpu.memory_space<vmem>> -> memref<100xi32, #tpu.memory_space<vmem>>
    %dma_start3A_13 = arith.constant 0 : i32
    %dma_start3A_14 = arith.constant 0 : i32
    %dma_start3A_15 = tpu.memref_slice %arg3[%dma_start3A_13, %dma_start3A_14] : memref<100000x128xf32, #tpu.memory_space<hbm>> -> memref<100000x128xf32, #tpu.memory_space<hbm>>
    tpu.enqueue_indirect_dma source(%dma_start3A_15 : memref<100000x128xf32, #tpu.memory_space<hbm>>) target(%arg9 : memref<100x128xf32, #tpu.memory_space<vmem>>) offsets(%dma_start3A_12 : memref<100xi32, #tpu.memory_space<vmem>>) semaphore(%arg15 : memref<!tpu.dma_semaphore, #tpu.memory_space<semaphore_mem>>)
    %scan3A = arith.constant 0 : i32
    %scan3A_16 = arith.constant 0 : i32
    %scan3A_17 = arith.constant 22 : i32
    %scan3A_18 = arith.addi %scan3A_16, %scan3A_17 : i32
    %scan3A_19 = arith.constant 1 : i32
    scf.for %scan3A_50 = %scan3A_16 to %scan3A_18 step %scan3A_19  : i32 {
      %mul3A_51 = arith.constant 3 : i32
      %mul3A_52 = arith.muli %scan3A_50, %mul3A_51 : i32
      %add3A_53 = arith.constant 0 : i32
      %add3A_54 = arith.addi %mul3A_52, %add3A_53 : i32
      %lt3A = arith.constant 64 : i32
      %lt3A_55 = arith.cmpi slt, %add3A_54, %lt3A : i32
      %convert_element_type3A = arith.extui %lt3A_55 : i1 to i32
      %cond3A = arith.constant 0 : i32
      %cond3A_56 = arith.cmpi ne, %convert_element_type3A, %cond3A : i32
      scf.if %cond3A_56 {
        %dma_wait3A_75 = arith.constant 0 : i32
        %dma_wait3A_76 = tpu.memref_slice %arg6[%add3A_54, %dma_wait3A_75] : memref<64x100xi32, #tpu.memory_space<vmem>> -> memref<1x100xi32, #tpu.memory_space<vmem>>
        %dma_wait3A_77 = tpu.memref_squeeze %dma_wait3A_76 : memref<1x100xi32, #tpu.memory_space<vmem>> -> memref<100xi32, #tpu.memory_space<vmem>>
        %dma_wait3A_78 = arith.constant 0 : i32
        %dma_wait3A_79 = arith.constant 0 : i32
        %dma_wait3A_80 = tpu.memref_slice %arg3[%dma_wait3A_78, %dma_wait3A_79] : memref<100000x128xf32, #tpu.memory_space<hbm>> -> memref<100000x128xf32, #tpu.memory_space<hbm>>
        tpu.wait_indirect_dma semaphore(%arg14 : memref<!tpu.dma_semaphore, #tpu.memory_space<semaphore_mem>>) src(%dma_wait3A_80 : memref<100000x128xf32, #tpu.memory_space<hbm>>) dst(%arg8 : memref<100x128xf32, #tpu.memory_space<vmem>>)
        %add3A_81 = arith.constant 2 : i32
        %add3A_82 = arith.addi %add3A_54, %add3A_81 : i32
        %lt3A_83 = arith.constant 64 : i32
        %lt3A_84 = arith.cmpi slt, %add3A_82, %lt3A_83 : i32
        %convert_element_type3A_85 = arith.extui %lt3A_84 : i1 to i32
        %cond3A_86 = arith.constant 0 : i32
        %cond3A_87 = arith.cmpi ne, %convert_element_type3A_85, %cond3A_86 : i32
        scf.if %cond3A_87 {
          %add3A_120 = arith.constant 2 : i32
          %add3A_121 = arith.addi %add3A_54, %add3A_120 : i32
          %dma_start3A_122 = arith.constant 0 : i32
          %dma_start3A_123 = tpu.memref_slice %arg6[%add3A_121, %dma_start3A_122] : memref<64x100xi32, #tpu.memory_space<vmem>> -> memref<1x100xi32, #tpu.memory_space<vmem>>
          %dma_start3A_124 = tpu.memref_squeeze %dma_start3A_123 : memref<1x100xi32, #tpu.memory_space<vmem>> -> memref<100xi32, #tpu.memory_space<vmem>>
          %dma_start3A_125 = arith.constant 0 : i32
          %dma_start3A_126 = arith.constant 0 : i32
          %dma_start3A_127 = tpu.memref_slice %arg3[%dma_start3A_125, %dma_start3A_126] : memref<100000x128xf32, #tpu.memory_space<hbm>> -> memref<100000x128xf32, #tpu.memory_space<hbm>>
          tpu.enqueue_indirect_dma source(%dma_start3A_127 : memref<100000x128xf32, #tpu.memory_space<hbm>>) target(%arg10 : memref<100x128xf32, #tpu.memory_space<vmem>>) offsets(%dma_start3A_124 : memref<100xi32, #tpu.memory_space<vmem>>) semaphore(%arg16 : memref<!tpu.dma_semaphore, #tpu.memory_space<semaphore_mem>>)
        } else {
        }
        %ge3A = arith.constant 3 : i32
        %ge3A_88 = arith.cmpi sge, %add3A_54, %ge3A : i32
        %convert_element_type3A_89 = arith.extui %ge3A_88 : i1 to i32
        %cond3A_90 = arith.constant 0 : i32
        %cond3A_91 = arith.cmpi ne, %convert_element_type3A_89, %cond3A_90 : i32
        scf.if %cond3A_91 {
          %add3A_120 = arith.addi %mul3A_2, %add3A_54 : i32
          %sub3A = arith.constant 3 : i32
          %sub3A_121 = arith.subi %add3A_120, %sub3A : i32
          %dma_wait3A_122 = arith.constant 0 : i32
          %dma_wait3A_123 = arith.constant 0 : i32
          %dma_wait3A_124 = tpu.memref_slice %arg5[%sub3A_121, %dma_wait3A_122, %dma_wait3A_123] : memref<2048x100x128xf32, #tpu.memory_space<hbm>> -> memref<1x100x128xf32, #tpu.memory_space<hbm>>
          %dma_wait3A_125 = tpu.memref_squeeze %dma_wait3A_124 : memref<1x100x128xf32, #tpu.memory_space<hbm>> -> memref<100x128xf32, #tpu.memory_space<hbm>>
          %dma_wait3A_126 = arith.constant 0 : i32
          %dma_wait3A_127 = arith.constant 0 : i32
          %dma_wait3A_128 = tpu.memref_slice %arg5[%sub3A_121, %dma_wait3A_126, %dma_wait3A_127] : memref<2048x100x128xf32, #tpu.memory_space<hbm>> -> memref<1x100x128xf32, #tpu.memory_space<hbm>>
          %dma_wait3A_129 = tpu.memref_squeeze %dma_wait3A_128 : memref<1x100x128xf32, #tpu.memory_space<hbm>> -> memref<100x128xf32, #tpu.memory_space<hbm>>
          tpu.wait_dma2 semaphore(%arg17 : memref<!tpu.dma_semaphore, #tpu.memory_space<semaphore_mem>>) src(%arg11 : memref<100x128xf32, #tpu.memory_space<vmem>>) dst(%dma_wait3A_129 : memref<100x128xf32, #tpu.memory_space<hbm>>)
        } else {
        }
        %add3A_92 = arith.addi %mul3A_2, %add3A_54 : i32
        %jit3A = arith.constant 2 : i32
        %eq3A = arith.constant 0 : i32
        %eq3A_93 = arith.cmpi eq, %jit3A, %eq3A : i32
        %jit3A_94 = arith.constant 1 : i32
        %select_n3A = arith.select %eq3A_93, %jit3A_94, %jit3A : i32
        %rem3A = arith.remsi %add3A_92, %select_n3A : i32
        %ne3A = arith.constant 0 : i32
        %ne3A_95 = arith.cmpi ne, %rem3A, %ne3A : i32
        %lt3A_96 = arith.constant 0 : i32
        %lt3A_97 = arith.cmpi slt, %rem3A, %lt3A_96 : i32
        %lt3A_98 = arith.constant 0 : i32
        %lt3A_99 = arith.cmpi slt, %select_n3A, %lt3A_98 : i32
        %ne3A_100 = arith.xori %lt3A_97, %lt3A_99 : i1
        %and3A = arith.andi %ne3A_100, %ne3A_95 : i1
        %add3A_101 = arith.addi %rem3A, %select_n3A : i32
        %select_n3A_102 = arith.select %and3A, %add3A_101, %rem3A : i32
        %mul3A_103 = arith.constant 100 : i32
        %mul3A_104 = arith.muli %select_n3A_102, %mul3A_103 : i32
        %scan3A_105 = arith.constant 0 : i32
        %scan3A_106 = arith.constant 0 : i32
        %scan3A_107 = arith.constant 100 : i32
        %scan3A_108 = arith.addi %scan3A_106, %scan3A_107 : i32
        %scan3A_109 = arith.constant 2 : i32
        scf.for %scan3A_120 = %scan3A_106 to %scan3A_108 step %scan3A_109  : i32 {
          %add3A_121 = arith.addi %mul3A_104, %scan3A_120 : i32
          %get3A = arith.index_cast %scan3A_120 : i32 to index
          %get3A_122 = arith.constant 0 : index
          %get3A_123 = tpu.vector_load %arg8[%get3A, %get3A_122] {strides = array<i32>} : memref<100x128xf32, #tpu.memory_space<vmem>>, vector<1x16xf32>,
          %get3A_124 = vector.shape_cast %get3A_123 : vector<1x16xf32> to vector<16xf32>
          %get3A_125 = arith.index_cast %scan3A_120 : i32 to index
          %get3A_126 = arith.constant 16 : index
          %get3A_127 = tpu.vector_load %arg8[%get3A_125, %get3A_126] {strides = array<i32>} : memref<100x128xf32, #tpu.memory_space<vmem>>, vector<1x16xf32>,
          %get3A_128 = vector.shape_cast %get3A_127 : vector<1x16xf32> to vector<16xf32>
          %get3A_129 = arith.index_cast %scan3A_120 : i32 to index
          %get3A_130 = arith.constant 32 : index
          %get3A_131 = tpu.vector_load %arg8[%get3A_129, %get3A_130] {strides = array<i32>} : memref<100x128xf32, #tpu.memory_space<vmem>>, vector<1x16xf32>,
          %get3A_132 = vector.shape_cast %get3A_131 : vector<1x16xf32> to vector<16xf32>
          %get3A_133 = arith.index_cast %scan3A_120 : i32 to index
          %get3A_134 = arith.constant 48 : index
          %get3A_135 = tpu.vector_load %arg8[%get3A_133, %get3A_134] {strides = array<i32>} : memref<100x128xf32, #tpu.memory_space<vmem>>, vector<1x16xf32>,
          %get3A_136 = vector.shape_cast %get3A_135 : vector<1x16xf32> to vector<16xf32>
          %get3A_137 = arith.index_cast %scan3A_120 : i32 to index
          %get3A_138 = arith.constant 64 : index
          %get3A_139 = tpu.vector_load %arg8[%get3A_137, %get3A_138] {strides = array<i32>} : memref<100x128xf32, #tpu.memory_space<vmem>>, vector<1x16xf32>,
          %get3A_140 = vector.shape_cast %get3A_139 : vector<1x16xf32> to vector<16xf32>
          %get3A_141 = arith.index_cast %scan3A_120 : i32 to index
          %get3A_142 = arith.constant 80 : index
          %get3A_143 = tpu.vector_load %arg8[%get3A_141, %get3A_142] {strides = array<i32>} : memref<100x128xf32, #tpu.memory_space<vmem>>, vector<1x16xf32>,
          %get3A_144 = vector.shape_cast %get3A_143 : vector<1x16xf32> to vector<16xf32>
          %get3A_145 = arith.index_cast %scan3A_120 : i32 to index
          %get3A_146 = arith.constant 96 : index
          %get3A_147 = tpu.vector_load %arg8[%get3A_145, %get3A_146] {strides = array<i32>} : memref<100x128xf32, #tpu.memory_space<vmem>>, vector<1x16xf32>,
          %get3A_148 = vector.shape_cast %get3A_147 : vector<1x16xf32> to vector<16xf32>
          %get3A_149 = arith.index_cast %scan3A_120 : i32 to index
          %get3A_150 = arith.constant 112 : index
          %get3A_151 = tpu.vector_load %arg8[%get3A_149, %get3A_150] {strides = array<i32>} : memref<100x128xf32, #tpu.memory_space<vmem>>, vector<1x16xf32>,
          %get3A_152 = vector.shape_cast %get3A_151 : vector<1x16xf32> to vector<16xf32>
          %get3A_153 = arith.index_cast %add3A_121 : i32 to index
          %get3A_154 = arith.constant 0 : index
          %get3A_155 = tpu.vector_load %arg7[%get3A_153, %get3A_154] {strides = array<i32>} : memref<200x128xf32, #tpu.memory_space<vmem>>, vector<1x16xf32>,
          %get3A_156 = vector.shape_cast %get3A_155 : vector<1x16xf32> to vector<16xf32>
          %get3A_157 = arith.index_cast %add3A_121 : i32 to index
          %get3A_158 = arith.constant 16 : index
          %get3A_159 = tpu.vector_load %arg7[%get3A_157, %get3A_158] {strides = array<i32>} : memref<200x128xf32, #tpu.memory_space<vmem>>, vector<1x16xf32>,
          %get3A_160 = vector.shape_cast %get3A_159 : vector<1x16xf32> to vector<16xf32>
          %get3A_161 = arith.index_cast %add3A_121 : i32 to index
          %get3A_162 = arith.constant 32 : index
          %get3A_163 = tpu.vector_load %arg7[%get3A_161, %get3A_162] {strides = array<i32>} : memref<200x128xf32, #tpu.memory_space<vmem>>, vector<1x16xf32>,
          %get3A_164 = vector.shape_cast %get3A_163 : vector<1x16xf32> to vector<16xf32>
          %get3A_165 = arith.index_cast %add3A_121 : i32 to index
          %get3A_166 = arith.constant 48 : index
          %get3A_167 = tpu.vector_load %arg7[%get3A_165, %get3A_166] {strides = array<i32>} : memref<200x128xf32, #tpu.memory_space<vmem>>, vector<1x16xf32>,
          %get3A_168 = vector.shape_cast %get3A_167 : vector<1x16xf32> to vector<16xf32>
          %get3A_169 = arith.index_cast %add3A_121 : i32 to index
          %get3A_170 = arith.constant 64 : index
          %get3A_171 = tpu.vector_load %arg7[%get3A_169, %get3A_170] {strides = array<i32>} : memref<200x128xf32, #tpu.memory_space<vmem>>, vector<1x16xf32>,
          %get3A_172 = vector.shape_cast %get3A_171 : vector<1x16xf32> to vector<16xf32>
          %get3A_173 = arith.index_cast %add3A_121 : i32 to index
          %get3A_174 = arith.constant 80 : index
          %get3A_175 = tpu.vector_load %arg7[%get3A_173, %get3A_174] {strides = array<i32>} : memref<200x128xf32, #tpu.memory_space<vmem>>, vector<1x16xf32>,
          %get3A_176 = vector.shape_cast %get3A_175 : vector<1x16xf32> to vector<16xf32>
          %get3A_177 = arith.index_cast %add3A_121 : i32 to index
          %get3A_178 = arith.constant 96 : index
          %get3A_179 = tpu.vector_load %arg7[%get3A_177, %get3A_178] {strides = array<i32>} : memref<200x128xf32, #tpu.memory_space<vmem>>, vector<1x16xf32>,
          %get3A_180 = vector.shape_cast %get3A_179 : vector<1x16xf32> to vector<16xf32>
          %get3A_181 = arith.index_cast %add3A_121 : i32 to index
          %get3A_182 = arith.constant 112 : index
          %get3A_183 = tpu.vector_load %arg7[%get3A_181, %get3A_182] {strides = array<i32>} : memref<200x128xf32, #tpu.memory_space<vmem>>, vector<1x16xf32>,
          %get3A_184 = vector.shape_cast %get3A_183 : vector<1x16xf32> to vector<16xf32>
          %mul3A_185 = arith.constant 316.227753 : f32
          %mul3A_186 = vector.broadcast %mul3A_185 : f32 to vector<16xf32>
          %mul3A_187 = arith.mulf %get3A_124, %mul3A_186 : vector<16xf32>
          %add3A_188 = arith.addf %mul3A_187, %get3A_156 : vector<16xf32>
          %mul3A_189 = arith.constant 316.227753 : f32
          %mul3A_190 = vector.broadcast %mul3A_189 : f32 to vector<16xf32>
          %mul3A_191 = arith.mulf %get3A_128, %mul3A_190 : vector<16xf32>
          %add3A_192 = arith.addf %mul3A_191, %get3A_160 : vector<16xf32>
          %mul3A_193 = arith.constant 316.227753 : f32
          %mul3A_194 = vector.broadcast %mul3A_193 : f32 to vector<16xf32>
          %mul3A_195 = arith.mulf %get3A_132, %mul3A_194 : vector<16xf32>
          %add3A_196 = arith.addf %mul3A_195, %get3A_164 : vector<16xf32>
          %mul3A_197 = arith.constant 316.227753 : f32
          %mul3A_198 = vector.broadcast %mul3A_197 : f32 to vector<16xf32>
          %mul3A_199 = arith.mulf %get3A_136, %mul3A_198 : vector<16xf32>
          %add3A_200 = arith.addf %mul3A_199, %get3A_168 : vector<16xf32>
          %mul3A_201 = arith.constant 316.227753 : f32
          %mul3A_202 = vector.broadcast %mul3A_201 : f32 to vector<16xf32>
          %mul3A_203 = arith.mulf %get3A_140, %mul3A_202 : vector<16xf32>
          %add3A_204 = arith.addf %mul3A_203, %get3A_172 : vector<16xf32>
          %mul3A_205 = arith.constant 316.227753 : f32
          %mul3A_206 = vector.broadcast %mul3A_205 : f32 to vector<16xf32>
          %mul3A_207 = arith.mulf %get3A_144, %mul3A_206 : vector<16xf32>
          %add3A_208 = arith.addf %mul3A_207, %get3A_176 : vector<16xf32>
          %mul3A_209 = arith.constant 316.227753 : f32
          %mul3A_210 = vector.broadcast %mul3A_209 : f32 to vector<16xf32>
          %mul3A_211 = arith.mulf %get3A_148, %mul3A_210 : vector<16xf32>
          %add3A_212 = arith.addf %mul3A_211, %get3A_180 : vector<16xf32>
          %mul3A_213 = arith.constant 316.227753 : f32
          %mul3A_214 = vector.broadcast %mul3A_213 : f32 to vector<16xf32>
          %mul3A_215 = arith.mulf %get3A_152, %mul3A_214 : vector<16xf32>
          %add3A_216 = arith.addf %mul3A_215, %get3A_184 : vector<16xf32>
          %swap3A = arith.index_cast %scan3A_120 : i32 to index
          %swap3A_217 = arith.constant 0 : index
          %swap3A_218 = tpu.vector_load %arg11[%swap3A, %swap3A_217] {strides = array<i32>} : memref<100x128xf32, #tpu.memory_space<vmem>>, vector<1x16xf32>,
          %swap3A_219 = vector.shape_cast %swap3A_218 : vector<1x16xf32> to vector<16xf32>
          %swap3A_220 = vector.shape_cast %add3A_188 : vector<16xf32> to vector<1x16xf32>
          tpu.vector_store %arg11[%swap3A, %swap3A_217], %swap3A_220 {strides = array<i32>} : memref<100x128xf32, #tpu.memory_space<vmem>>, vector<1x16xf32>,
          %swap3A_221 = arith.index_cast %scan3A_120 : i32 to index
          %swap3A_222 = arith.constant 16 : index
          %swap3A_223 = tpu.vector_load %arg11[%swap3A_221, %swap3A_222] {strides = array<i32>} : memref<100x128xf32, #tpu.memory_space<vmem>>, vector<1x16xf32>,
          %swap3A_224 = vector.shape_cast %swap3A_223 : vector<1x16xf32> to vector<16xf32>
          %swap3A_225 = vector.shape_cast %add3A_192 : vector<16xf32> to vector<1x16xf32>
          tpu.vector_store %arg11[%swap3A_221, %swap3A_222], %swap3A_225 {strides = array<i32>} : memref<100x128xf32, #tpu.memory_space<vmem>>, vector<1x16xf32>,
          %swap3A_226 = arith.index_cast %scan3A_120 : i32 to index
          %swap3A_227 = arith.constant 32 : index
          %swap3A_228 = tpu.vector_load %arg11[%swap3A_226, %swap3A_227] {strides = array<i32>} : memref<100x128xf32, #tpu.memory_space<vmem>>, vector<1x16xf32>,
          %swap3A_229 = vector.shape_cast %swap3A_228 : vector<1x16xf32> to vector<16xf32>
          %swap3A_230 = vector.shape_cast %add3A_196 : vector<16xf32> to vector<1x16xf32>
          tpu.vector_store %arg11[%swap3A_226, %swap3A_227], %swap3A_230 {strides = array<i32>} : memref<100x128xf32, #tpu.memory_space<vmem>>, vector<1x16xf32>,
          %swap3A_231 = arith.index_cast %scan3A_120 : i32 to index
          %swap3A_232 = arith.constant 48 : index
          %swap3A_233 = tpu.vector_load %arg11[%swap3A_231, %swap3A_232] {strides = array<i32>} : memref<100x128xf32, #tpu.memory_space<vmem>>, vector<1x16xf32>,
          %swap3A_234 = vector.shape_cast %swap3A_233 : vector<1x16xf32> to vector<16xf32>
          %swap3A_235 = vector.shape_cast %add3A_200 : vector<16xf32> to vector<1x16xf32>
          tpu.vector_store %arg11[%swap3A_231, %swap3A_232], %swap3A_235 {strides = array<i32>} : memref<100x128xf32, #tpu.memory_space<vmem>>, vector<1x16xf32>,
          %swap3A_236 = arith.index_cast %scan3A_120 : i32 to index
          %swap3A_237 = arith.constant 64 : index
          %swap3A_238 = tpu.vector_load %arg11[%swap3A_236, %swap3A_237] {strides = array<i32>} : memref<100x128xf32, #tpu.memory_space<vmem>>, vector<1x16xf32>,
          %swap3A_239 = vector.shape_cast %swap3A_238 : vector<1x16xf32> to vector<16xf32>
          %swap3A_240 = vector.shape_cast %add3A_204 : vector<16xf32> to vector<1x16xf32>
          tpu.vector_store %arg11[%swap3A_236, %swap3A_237], %swap3A_240 {strides = array<i32>} : memref<100x128xf32, #tpu.memory_space<vmem>>, vector<1x16xf32>,
          %swap3A_241 = arith.index_cast %scan3A_120 : i32 to index
          %swap3A_242 = arith.constant 80 : index
          %swap3A_243 = tpu.vector_load %arg11[%swap3A_241, %swap3A_242] {strides = array<i32>} : memref<100x128xf32, #tpu.memory_space<vmem>>, vector<1x16xf32>,
          %swap3A_244 = vector.shape_cast %swap3A_243 : vector<1x16xf32> to vector<16xf32>
          %swap3A_245 = vector.shape_cast %add3A_208 : vector<16xf32> to vector<1x16xf32>
          tpu.vector_store %arg11[%swap3A_241, %swap3A_242], %swap3A_245 {strides = array<i32>} : memref<100x128xf32, #tpu.memory_space<vmem>>, vector<1x16xf32>,
          %swap3A_246 = arith.index_cast %scan3A_120 : i32 to index
          %swap3A_247 = arith.constant 96 : index
          %swap3A_248 = tpu.vector_load %arg11[%swap3A_246, %swap3A_247] {strides = array<i32>} : memref<100x128xf32, #tpu.memory_space<vmem>>, vector<1x16xf32>,
          %swap3A_249 = vector.shape_cast %swap3A_248 : vector<1x16xf32> to vector<16xf32>
          %swap3A_250 = vector.shape_cast %add3A_212 : vector<16xf32> to vector<1x16xf32>
          tpu.vector_store %arg11[%swap3A_246, %swap3A_247], %swap3A_250 {strides = array<i32>} : memref<100x128xf32, #tpu.memory_space<vmem>>, vector<1x16xf32>,
          %swap3A_251 = arith.index_cast %scan3A_120 : i32 to index
          %swap3A_252 = arith.constant 112 : index
          %swap3A_253 = tpu.vector_load %arg11[%swap3A_251, %swap3A_252] {strides = array<i32>} : memref<100x128xf32, #tpu.memory_space<vmem>>, vector<1x16xf32>,
          %swap3A_254 = vector.shape_cast %swap3A_253 : vector<1x16xf32> to vector<16xf32>
          %swap3A_255 = vector.shape_cast %add3A_216 : vector<16xf32> to vector<1x16xf32>
          tpu.vector_store %arg11[%swap3A_251, %swap3A_252], %swap3A_255 {strides = array<i32>} : memref<100x128xf32, #tpu.memory_space<vmem>>, vector<1x16xf32>,
          %scan3A_256 = arith.constant 1 : i32
          %scan3A_257 = arith.addi %scan3A_120, %scan3A_256 : i32
          %add3A_258 = arith.addi %mul3A_104, %scan3A_257 : i32
          %get3A_259 = arith.index_cast %scan3A_257 : i32 to index
          %get3A_260 = arith.constant 0 : index
          %get3A_261 = tpu.vector_load %arg8[%get3A_259, %get3A_260] {strides = array<i32>} : memref<100x128xf32, #tpu.memory_space<vmem>>, vector<1x16xf32>,
          %get3A_262 = vector.shape_cast %get3A_261 : vector<1x16xf32> to vector<16xf32>
          %get3A_263 = arith.index_cast %scan3A_257 : i32 to index
          %get3A_264 = arith.constant 16 : index
          %get3A_265 = tpu.vector_load %arg8[%get3A_263, %get3A_264] {strides = array<i32>} : memref<100x128xf32, #tpu.memory_space<vmem>>, vector<1x16xf32>,
          %get3A_266 = vector.shape_cast %get3A_265 : vector<1x16xf32> to vector<16xf32>
          %get3A_267 = arith.index_cast %scan3A_257 : i32 to index
          %get3A_268 = arith.constant 32 : index
          %get3A_269 = tpu.vector_load %arg8[%get3A_267, %get3A_268] {strides = array<i32>} : memref<100x128xf32, #tpu.memory_space<vmem>>, vector<1x16xf32>,
          %get3A_270 = vector.shape_cast %get3A_269 : vector<1x16xf32> to vector<16xf32>
          %get3A_271 = arith.index_cast %scan3A_257 : i32 to index
          %get3A_272 = arith.constant 48 : index
          %get3A_273 = tpu.vector_load %arg8[%get3A_271, %get3A_272] {strides = array<i32>} : memref<100x128xf32, #tpu.memory_space<vmem>>, vector<1x16xf32>,
          %get3A_274 = vector.shape_cast %get3A_273 : vector<1x16xf32> to vector<16xf32>
          %get3A_275 = arith.index_cast %scan3A_257 : i32 to index
          %get3A_276 = arith.constant 64 : index
          %get3A_277 = tpu.vector_load %arg8[%get3A_275, %get3A_276] {strides = array<i32>} : memref<100x128xf32, #tpu.memory_space<vmem>>, vector<1x16xf32>,
          %get3A_278 = vector.shape_cast %get3A_277 : vector<1x16xf32> to vector<16xf32>
          %get3A_279 = arith.index_cast %scan3A_257 : i32 to index
          %get3A_280 = arith.constant 80 : index
          %get3A_281 = tpu.vector_load %arg8[%get3A_279, %get3A_280] {strides = array<i32>} : memref<100x128xf32, #tpu.memory_space<vmem>>, vector<1x16xf32>,
          %get3A_282 = vector.shape_cast %get3A_281 : vector<1x16xf32> to vector<16xf32>
          %get3A_283 = arith.index_cast %scan3A_257 : i32 to index
          %get3A_284 = arith.constant 96 : index
          %get3A_285 = tpu.vector_load %arg8[%get3A_283, %get3A_284] {strides = array<i32>} : memref<100x128xf32, #tpu.memory_space<vmem>>, vector<1x16xf32>,
          %get3A_286 = vector.shape_cast %get3A_285 : vector<1x16xf32> to vector<16xf32>
          %get3A_287 = arith.index_cast %scan3A_257 : i32 to index
          %get3A_288 = arith.constant 112 : index
          %get3A_289 = tpu.vector_load %arg8[%get3A_287, %get3A_288] {strides = array<i32>} : memref<100x128xf32, #tpu.memory_space<vmem>>, vector<1x16xf32>,
          %get3A_290 = vector.shape_cast %get3A_289 : vector<1x16xf32> to vector<16xf32>
          %get3A_291 = arith.index_cast %add3A_258 : i32 to index
          %get3A_292 = arith.constant 0 : index
          %get3A_293 = tpu.vector_load %arg7[%get3A_291, %get3A_292] {strides = array<i32>} : memref<200x128xf32, #tpu.memory_space<vmem>>, vector<1x16xf32>,
          %get3A_294 = vector.shape_cast %get3A_293 : vector<1x16xf32> to vector<16xf32>
          %get3A_295 = arith.index_cast %add3A_258 : i32 to index
          %get3A_296 = arith.constant 16 : index
          %get3A_297 = tpu.vector_load %arg7[%get3A_295, %get3A_296] {strides = array<i32>} : memref<200x128xf32, #tpu.memory_space<vmem>>, vector<1x16xf32>,
          %get3A_298 = vector.shape_cast %get3A_297 : vector<1x16xf32> to vector<16xf32>
          %get3A_299 = arith.index_cast %add3A_258 : i32 to index
          %get3A_300 = arith.constant 32 : index
          %get3A_301 = tpu.vector_load %arg7[%get3A_299, %get3A_300] {strides = array<i32>} : memref<200x128xf32, #tpu.memory_space<vmem>>, vector<1x16xf32>,
          %get3A_302 = vector.shape_cast %get3A_301 : vector<1x16xf32> to vector<16xf32>
          %get3A_303 = arith.index_cast %add3A_258 : i32 to index
          %get3A_304 = arith.constant 48 : index
          %get3A_305 = tpu.vector_load %arg7[%get3A_303, %get3A_304] {strides = array<i32>} : memref<200x128xf32, #tpu.memory_space<vmem>>, vector<1x16xf32>,
          %get3A_306 = vector.shape_cast %get3A_305 : vector<1x16xf32> to vector<16xf32>
          %get3A_307 = arith.index_cast %add3A_258 : i32 to index
          %get3A_308 = arith.constant 64 : index
          %get3A_309 = tpu.vector_load %arg7[%get3A_307, %get3A_308] {strides = array<i32>} : memref<200x128xf32, #tpu.memory_space<vmem>>, vector<1x16xf32>,
          %get3A_310 = vector.shape_cast %get3A_309 : vector<1x16xf32> to vector<16xf32>
          %get3A_311 = arith.index_cast %add3A_258 : i32 to index
          %get3A_312 = arith.constant 80 : index
          %get3A_313 = tpu.vector_load %arg7[%get3A_311, %get3A_312] {strides = array<i32>} : memref<200x128xf32, #tpu.memory_space<vmem>>, vector<1x16xf32>,
          %get3A_314 = vector.shape_cast %get3A_313 : vector<1x16xf32> to vector<16xf32>
          %get3A_315 = arith.index_cast %add3A_258 : i32 to index
          %get3A_316 = arith.constant 96 : index
          %get3A_317 = tpu.vector_load %arg7[%get3A_315, %get3A_316] {strides = array<i32>} : memref<200x128xf32, #tpu.memory_space<vmem>>, vector<1x16xf32>,
          %get3A_318 = vector.shape_cast %get3A_317 : vector<1x16xf32> to vector<16xf32>
          %get3A_319 = arith.index_cast %add3A_258 : i32 to index
          %get3A_320 = arith.constant 112 : index
          %get3A_321 = tpu.vector_load %arg7[%get3A_319, %get3A_320] {strides = array<i32>} : memref<200x128xf32, #tpu.memory_space<vmem>>, vector<1x16xf32>,
          %get3A_322 = vector.shape_cast %get3A_321 : vector<1x16xf32> to vector<16xf32>
          %mul3A_323 = arith.constant 316.227753 : f32
          %mul3A_324 = vector.broadcast %mul3A_323 : f32 to vector<16xf32>
          %mul3A_325 = arith.mulf %get3A_262, %mul3A_324 : vector<16xf32>
          %add3A_326 = arith.addf %mul3A_325, %get3A_294 : vector<16xf32>
          %mul3A_327 = arith.constant 316.227753 : f32
          %mul3A_328 = vector.broadcast %mul3A_327 : f32 to vector<16xf32>
          %mul3A_329 = arith.mulf %get3A_266, %mul3A_328 : vector<16xf32>
          %add3A_330 = arith.addf %mul3A_329, %get3A_298 : vector<16xf32>
          %mul3A_331 = arith.constant 316.227753 : f32
          %mul3A_332 = vector.broadcast %mul3A_331 : f32 to vector<16xf32>
          %mul3A_333 = arith.mulf %get3A_270, %mul3A_332 : vector<16xf32>
          %add3A_334 = arith.addf %mul3A_333, %get3A_302 : vector<16xf32>
          %mul3A_335 = arith.constant 316.227753 : f32
          %mul3A_336 = vector.broadcast %mul3A_335 : f32 to vector<16xf32>
          %mul3A_337 = arith.mulf %get3A_274, %mul3A_336 : vector<16xf32>
          %add3A_338 = arith.addf %mul3A_337, %get3A_306 : vector<16xf32>
          %mul3A_339 = arith.constant 316.227753 : f32
          %mul3A_340 = vector.broadcast %mul3A_339 : f32 to vector<16xf32>
          %mul3A_341 = arith.mulf %get3A_278, %mul3A_340 : vector<16xf32>
          %add3A_342 = arith.addf %mul3A_341, %get3A_310 : vector<16xf32>
          %mul3A_343 = arith.constant 316.227753 : f32
          %mul3A_344 = vector.broadcast %mul3A_343 : f32 to vector<16xf32>
          %mul3A_345 = arith.mulf %get3A_282, %mul3A_344 : vector<16xf32>
          %add3A_346 = arith.addf %mul3A_345, %get3A_314 : vector<16xf32>
          %mul3A_347 = arith.constant 316.227753 : f32
          %mul3A_348 = vector.broadcast %mul3A_347 : f32 to vector<16xf32>
          %mul3A_349 = arith.mulf %get3A_286, %mul3A_348 : vector<16xf32>
          %add3A_350 = arith.addf %mul3A_349, %get3A_318 : vector<16xf32>
          %mul3A_351 = arith.constant 316.227753 : f32
          %mul3A_352 = vector.broadcast %mul3A_351 : f32 to vector<16xf32>
          %mul3A_353 = arith.mulf %get3A_290, %mul3A_352 : vector<16xf32>
          %add3A_354 = arith.addf %mul3A_353, %get3A_322 : vector<16xf32>
          %swap3A_355 = arith.index_cast %scan3A_257 : i32 to index
          %swap3A_356 = arith.constant 0 : index
          %swap3A_357 = tpu.vector_load %arg11[%swap3A_355, %swap3A_356] {strides = array<i32>} : memref<100x128xf32, #tpu.memory_space<vmem>>, vector<1x16xf32>,
          %swap3A_358 = vector.shape_cast %swap3A_357 : vector<1x16xf32> to vector<16xf32>
          %swap3A_359 = vector.shape_cast %add3A_326 : vector<16xf32> to vector<1x16xf32>
          tpu.vector_store %arg11[%swap3A_355, %swap3A_356], %swap3A_359 {strides = array<i32>} : memref<100x128xf32, #tpu.memory_space<vmem>>, vector<1x16xf32>,
          %swap3A_360 = arith.index_cast %scan3A_257 : i32 to index
          %swap3A_361 = arith.constant 16 : index
          %swap3A_362 = tpu.vector_load %arg11[%swap3A_360, %swap3A_361] {strides = array<i32>} : memref<100x128xf32, #tpu.memory_space<vmem>>, vector<1x16xf32>,
          %swap3A_363 = vector.shape_cast %swap3A_362 : vector<1x16xf32> to vector<16xf32>
          %swap3A_364 = vector.shape_cast %add3A_330 : vector<16xf32> to vector<1x16xf32>
          tpu.vector_store %arg11[%swap3A_360, %swap3A_361], %swap3A_364 {strides = array<i32>} : memref<100x128xf32, #tpu.memory_space<vmem>>, vector<1x16xf32>,
          %swap3A_365 = arith.index_cast %scan3A_257 : i32 to index
          %swap3A_366 = arith.constant 32 : index
          %swap3A_367 = tpu.vector_load %arg11[%swap3A_365, %swap3A_366] {strides = array<i32>} : memref<100x128xf32, #tpu.memory_space<vmem>>, vector<1x16xf32>,
          %swap3A_368 = vector.shape_cast %swap3A_367 : vector<1x16xf32> to vector<16xf32>
          %swap3A_369 = vector.shape_cast %add3A_334 : vector<16xf32> to vector<1x16xf32>
          tpu.vector_store %arg11[%swap3A_365, %swap3A_366], %swap3A_369 {strides = array<i32>} : memref<100x128xf32, #tpu.memory_space<vmem>>, vector<1x16xf32>,
          %swap3A_370 = arith.index_cast %scan3A_257 : i32 to index
          %swap3A_371 = arith.constant 48 : index
          %swap3A_372 = tpu.vector_load %arg11[%swap3A_370, %swap3A_371] {strides = array<i32>} : memref<100x128xf32, #tpu.memory_space<vmem>>, vector<1x16xf32>,
          %swap3A_373 = vector.shape_cast %swap3A_372 : vector<1x16xf32> to vector<16xf32>
          %swap3A_374 = vector.shape_cast %add3A_338 : vector<16xf32> to vector<1x16xf32>
          tpu.vector_store %arg11[%swap3A_370, %swap3A_371], %swap3A_374 {strides = array<i32>} : memref<100x128xf32, #tpu.memory_space<vmem>>, vector<1x16xf32>,
          %swap3A_375 = arith.index_cast %scan3A_257 : i32 to index
          %swap3A_376 = arith.constant 64 : index
          %swap3A_377 = tpu.vector_load %arg11[%swap3A_375, %swap3A_376] {strides = array<i32>} : memref<100x128xf32, #tpu.memory_space<vmem>>, vector<1x16xf32>,
          %swap3A_378 = vector.shape_cast %swap3A_377 : vector<1x16xf32> to vector<16xf32>
          %swap3A_379 = vector.shape_cast %add3A_342 : vector<16xf32> to vector<1x16xf32>
          tpu.vector_store %arg11[%swap3A_375, %swap3A_376], %swap3A_379 {strides = array<i32>} : memref<100x128xf32, #tpu.memory_space<vmem>>, vector<1x16xf32>,
          %swap3A_380 = arith.index_cast %scan3A_257 : i32 to index
          %swap3A_381 = arith.constant 80 : index
          %swap3A_382 = tpu.vector_load %arg11[%swap3A_380, %swap3A_381] {strides = array<i32>} : memref<100x128xf32, #tpu.memory_space<vmem>>, vector<1x16xf32>,
          %swap3A_383 = vector.shape_cast %swap3A_382 : vector<1x16xf32> to vector<16xf32>
          %swap3A_384 = vector.shape_cast %add3A_346 : vector<16xf32> to vector<1x16xf32>
          tpu.vector_store %arg11[%swap3A_380, %swap3A_381], %swap3A_384 {strides = array<i32>} : memref<100x128xf32, #tpu.memory_space<vmem>>, vector<1x16xf32>,
          %swap3A_385 = arith.index_cast %scan3A_257 : i32 to index
          %swap3A_386 = arith.constant 96 : index
          %swap3A_387 = tpu.vector_load %arg11[%swap3A_385, %swap3A_386] {strides = array<i32>} : memref<100x128xf32, #tpu.memory_space<vmem>>, vector<1x16xf32>,
          %swap3A_388 = vector.shape_cast %swap3A_387 : vector<1x16xf32> to vector<16xf32>
          %swap3A_389 = vector.shape_cast %add3A_350 : vector<16xf32> to vector<1x16xf32>
          tpu.vector_store %arg11[%swap3A_385, %swap3A_386], %swap3A_389 {strides = array<i32>} : memref<100x128xf32, #tpu.memory_space<vmem>>, vector<1x16xf32>,
          %swap3A_390 = arith.index_cast %scan3A_257 : i32 to index
          %swap3A_391 = arith.constant 112 : index
          %swap3A_392 = tpu.vector_load %arg11[%swap3A_390, %swap3A_391] {strides = array<i32>} : memref<100x128xf32, #tpu.memory_space<vmem>>, vector<1x16xf32>,
          %swap3A_393 = vector.shape_cast %swap3A_392 : vector<1x16xf32> to vector<16xf32>
          %swap3A_394 = vector.shape_cast %add3A_354 : vector<16xf32> to vector<1x16xf32>
          tpu.vector_store %arg11[%swap3A_390, %swap3A_391], %swap3A_394 {strides = array<i32>} : memref<100x128xf32, #tpu.memory_space<vmem>>, vector<1x16xf32>,
        }
        %scan3A_110 = arith.constant 100 : i32
        %add3A_111 = arith.addi %mul3A_2, %add3A_54 : i32
        %dma_start3A_112 = arith.constant 0 : i32
        %dma_start3A_113 = arith.constant 0 : i32
        %dma_start3A_114 = tpu.memref_slice %arg5[%add3A_111, %dma_start3A_112, %dma_start3A_113] : memref<2048x100x128xf32, #tpu.memory_space<hbm>> -> memref<1x100x128xf32, #tpu.memory_space<hbm>>
        %dma_start3A_115 = tpu.memref_squeeze %dma_start3A_114 : memref<1x100x128xf32, #tpu.memory_space<hbm>> -> memref<100x128xf32, #tpu.memory_space<hbm>>
        %dma_start3A_116 = arith.constant 0 : i32
        %dma_start3A_117 = arith.constant 0 : i32
        %dma_start3A_118 = tpu.memref_slice %arg5[%add3A_111, %dma_start3A_116, %dma_start3A_117] : memref<2048x100x128xf32, #tpu.memory_space<hbm>> -> memref<1x100x128xf32, #tpu.memory_space<hbm>>
        %dma_start3A_119 = tpu.memref_squeeze %dma_start3A_118 : memref<1x100x128xf32, #tpu.memory_space<hbm>> -> memref<100x128xf32, #tpu.memory_space<hbm>>
        tpu.enqueue_dma source(%arg11 : memref<100x128xf32, #tpu.memory_space<vmem>>) target(%dma_start3A_119 : memref<100x128xf32, #tpu.memory_space<hbm>>) target_semaphore(%arg17 : memref<!tpu.dma_semaphore, #tpu.memory_space<semaphore_mem>>)
      } else {
      }
      %mul3A_57 = arith.constant 3 : i32
      %mul3A_58 = arith.muli %scan3A_50, %mul3A_57 : i32
      %add3A_59 = arith.constant 1 : i32
      %add3A_60 = arith.addi %mul3A_58, %add3A_59 : i32
      %lt3A_61 = arith.constant 64 : i32
      %lt3A_62 = arith.cmpi slt, %add3A_60, %lt3A_61 : i32
      %convert_element_type3A_63 = arith.extui %lt3A_62 : i1 to i32
      %cond3A_64 = arith.constant 0 : i32
      %cond3A_65 = arith.cmpi ne, %convert_element_type3A_63, %cond3A_64 : i32
      scf.if %cond3A_65 {
        %dma_wait3A_75 = arith.constant 0 : i32
        %dma_wait3A_76 = tpu.memref_slice %arg6[%add3A_60, %dma_wait3A_75] : memref<64x100xi32, #tpu.memory_space<vmem>> -> memref<1x100xi32, #tpu.memory_space<vmem>>
        %dma_wait3A_77 = tpu.memref_squeeze %dma_wait3A_76 : memref<1x100xi32, #tpu.memory_space<vmem>> -> memref<100xi32, #tpu.memory_space<vmem>>
        %dma_wait3A_78 = arith.constant 0 : i32
        %dma_wait3A_79 = arith.constant 0 : i32
        %dma_wait3A_80 = tpu.memref_slice %arg3[%dma_wait3A_78, %dma_wait3A_79] : memref<100000x128xf32, #tpu.memory_space<hbm>> -> memref<100000x128xf32, #tpu.memory_space<hbm>>
        tpu.wait_indirect_dma semaphore(%arg15 : memref<!tpu.dma_semaphore, #tpu.memory_space<semaphore_mem>>) src(%dma_wait3A_80 : memref<100000x128xf32, #tpu.memory_space<hbm>>) dst(%arg9 : memref<100x128xf32, #tpu.memory_space<vmem>>)
        %add3A_81 = arith.constant 2 : i32
        %add3A_82 = arith.addi %add3A_60, %add3A_81 : i32
        %lt3A_83 = arith.constant 64 : i32
        %lt3A_84 = arith.cmpi slt, %add3A_82, %lt3A_83 : i32
        %convert_element_type3A_85 = arith.extui %lt3A_84 : i1 to i32
        %cond3A_86 = arith.constant 0 : i32
        %cond3A_87 = arith.cmpi ne, %convert_element_type3A_85, %cond3A_86 : i32
        scf.if %cond3A_87 {
          %add3A_120 = arith.constant 2 : i32
          %add3A_121 = arith.addi %add3A_60, %add3A_120 : i32
          %dma_start3A_122 = arith.constant 0 : i32
          %dma_start3A_123 = tpu.memref_slice %arg6[%add3A_121, %dma_start3A_122] : memref<64x100xi32, #tpu.memory_space<vmem>> -> memref<1x100xi32, #tpu.memory_space<vmem>>
          %dma_start3A_124 = tpu.memref_squeeze %dma_start3A_123 : memref<1x100xi32, #tpu.memory_space<vmem>> -> memref<100xi32, #tpu.memory_space<vmem>>
          %dma_start3A_125 = arith.constant 0 : i32
          %dma_start3A_126 = arith.constant 0 : i32
          %dma_start3A_127 = tpu.memref_slice %arg3[%dma_start3A_125, %dma_start3A_126] : memref<100000x128xf32, #tpu.memory_space<hbm>> -> memref<100000x128xf32, #tpu.memory_space<hbm>>
          tpu.enqueue_indirect_dma source(%dma_start3A_127 : memref<100000x128xf32, #tpu.memory_space<hbm>>) target(%arg8 : memref<100x128xf32, #tpu.memory_space<vmem>>) offsets(%dma_start3A_124 : memref<100xi32, #tpu.memory_space<vmem>>) semaphore(%arg14 : memref<!tpu.dma_semaphore, #tpu.memory_space<semaphore_mem>>)
        } else {
        }
        %ge3A = arith.constant 3 : i32
        %ge3A_88 = arith.cmpi sge, %add3A_60, %ge3A : i32
        %convert_element_type3A_89 = arith.extui %ge3A_88 : i1 to i32
        %cond3A_90 = arith.constant 0 : i32
        %cond3A_91 = arith.cmpi ne, %convert_element_type3A_89, %cond3A_90 : i32
        scf.if %cond3A_91 {
          %add3A_120 = arith.addi %mul3A_2, %add3A_60 : i32
          %sub3A = arith.constant 3 : i32
          %sub3A_121 = arith.subi %add3A_120, %sub3A : i32
          %dma_wait3A_122 = arith.constant 0 : i32
          %dma_wait3A_123 = arith.constant 0 : i32
          %dma_wait3A_124 = tpu.memref_slice %arg5[%sub3A_121, %dma_wait3A_122, %dma_wait3A_123] : memref<2048x100x128xf32, #tpu.memory_space<hbm>> -> memref<1x100x128xf32, #tpu.memory_space<hbm>>
          %dma_wait3A_125 = tpu.memref_squeeze %dma_wait3A_124 : memref<1x100x128xf32, #tpu.memory_space<hbm>> -> memref<100x128xf32, #tpu.memory_space<hbm>>
          %dma_wait3A_126 = arith.constant 0 : i32
          %dma_wait3A_127 = arith.constant 0 : i32
          %dma_wait3A_128 = tpu.memref_slice %arg5[%sub3A_121, %dma_wait3A_126, %dma_wait3A_127] : memref<2048x100x128xf32, #tpu.memory_space<hbm>> -> memref<1x100x128xf32, #tpu.memory_space<hbm>>
          %dma_wait3A_129 = tpu.memref_squeeze %dma_wait3A_128 : memref<1x100x128xf32, #tpu.memory_space<hbm>> -> memref<100x128xf32, #tpu.memory_space<hbm>>
          tpu.wait_dma2 semaphore(%arg18 : memref<!tpu.dma_semaphore, #tpu.memory_space<semaphore_mem>>) src(%arg12 : memref<100x128xf32, #tpu.memory_space<vmem>>) dst(%dma_wait3A_129 : memref<100x128xf32, #tpu.memory_space<hbm>>)
        } else {
        }
        %add3A_92 = arith.addi %mul3A_2, %add3A_60 : i32
        %jit3A = arith.constant 2 : i32
        %eq3A = arith.constant 0 : i32
        %eq3A_93 = arith.cmpi eq, %jit3A, %eq3A : i32
        %jit3A_94 = arith.constant 1 : i32
        %select_n3A = arith.select %eq3A_93, %jit3A_94, %jit3A : i32
        %rem3A = arith.remsi %add3A_92, %select_n3A : i32
        %ne3A = arith.constant 0 : i32
        %ne3A_95 = arith.cmpi ne, %rem3A, %ne3A : i32
        %lt3A_96 = arith.constant 0 : i32
        %lt3A_97 = arith.cmpi slt, %rem3A, %lt3A_96 : i32
        %lt3A_98 = arith.constant 0 : i32
        %lt3A_99 = arith.cmpi slt, %select_n3A, %lt3A_98 : i32
        %ne3A_100 = arith.xori %lt3A_97, %lt3A_99 : i1
        %and3A = arith.andi %ne3A_100, %ne3A_95 : i1
        %add3A_101 = arith.addi %rem3A, %select_n3A : i32
        %select_n3A_102 = arith.select %and3A, %add3A_101, %rem3A : i32
        %mul3A_103 = arith.constant 100 : i32
        %mul3A_104 = arith.muli %select_n3A_102, %mul3A_103 : i32
        %scan3A_105 = arith.constant 0 : i32
        %scan3A_106 = arith.constant 0 : i32
        %scan3A_107 = arith.constant 100 : i32
        %scan3A_108 = arith.addi %scan3A_106, %scan3A_107 : i32
        %scan3A_109 = arith.constant 2 : i32
        scf.for %scan3A_120 = %scan3A_106 to %scan3A_108 step %scan3A_109  : i32 {
          %add3A_121 = arith.addi %mul3A_104, %scan3A_120 : i32
          %get3A = arith.index_cast %scan3A_120 : i32 to index
          %get3A_122 = arith.constant 0 : index
          %get3A_123 = tpu.vector_load %arg9[%get3A, %get3A_122] {strides = array<i32>} : memref<100x128xf32, #tpu.memory_space<vmem>>, vector<1x16xf32>,
          %get3A_124 = vector.shape_cast %get3A_123 : vector<1x16xf32> to vector<16xf32>
          %get3A_125 = arith.index_cast %scan3A_120 : i32 to index
          %get3A_126 = arith.constant 16 : index
          %get3A_127 = tpu.vector_load %arg9[%get3A_125, %get3A_126] {strides = array<i32>} : memref<100x128xf32, #tpu.memory_space<vmem>>, vector<1x16xf32>,
          %get3A_128 = vector.shape_cast %get3A_127 : vector<1x16xf32> to vector<16xf32>
          %get3A_129 = arith.index_cast %scan3A_120 : i32 to index
          %get3A_130 = arith.constant 32 : index
          %get3A_131 = tpu.vector_load %arg9[%get3A_129, %get3A_130] {strides = array<i32>} : memref<100x128xf32, #tpu.memory_space<vmem>>, vector<1x16xf32>,
          %get3A_132 = vector.shape_cast %get3A_131 : vector<1x16xf32> to vector<16xf32>
          %get3A_133 = arith.index_cast %scan3A_120 : i32 to index
          %get3A_134 = arith.constant 48 : index
          %get3A_135 = tpu.vector_load %arg9[%get3A_133, %get3A_134] {strides = array<i32>} : memref<100x128xf32, #tpu.memory_space<vmem>>, vector<1x16xf32>,
          %get3A_136 = vector.shape_cast %get3A_135 : vector<1x16xf32> to vector<16xf32>
          %get3A_137 = arith.index_cast %scan3A_120 : i32 to index
          %get3A_138 = arith.constant 64 : index
          %get3A_139 = tpu.vector_load %arg9[%get3A_137, %get3A_138] {strides = array<i32>} : memref<100x128xf32, #tpu.memory_space<vmem>>, vector<1x16xf32>,
          %get3A_140 = vector.shape_cast %get3A_139 : vector<1x16xf32> to vector<16xf32>
          %get3A_141 = arith.index_cast %scan3A_120 : i32 to index
          %get3A_142 = arith.constant 80 : index
          %get3A_143 = tpu.vector_load %arg9[%get3A_141, %get3A_142] {strides = array<i32>} : memref<100x128xf32, #tpu.memory_space<vmem>>, vector<1x16xf32>,
          %get3A_144 = vector.shape_cast %get3A_143 : vector<1x16xf32> to vector<16xf32>
          %get3A_145 = arith.index_cast %scan3A_120 : i32 to index
          %get3A_146 = arith.constant 96 : index
          %get3A_147 = tpu.vector_load %arg9[%get3A_145, %get3A_146] {strides = array<i32>} : memref<100x128xf32, #tpu.memory_space<vmem>>, vector<1x16xf32>,
          %get3A_148 = vector.shape_cast %get3A_147 : vector<1x16xf32> to vector<16xf32>
          %get3A_149 = arith.index_cast %scan3A_120 : i32 to index
          %get3A_150 = arith.constant 112 : index
          %get3A_151 = tpu.vector_load %arg9[%get3A_149, %get3A_150] {strides = array<i32>} : memref<100x128xf32, #tpu.memory_space<vmem>>, vector<1x16xf32>,
          %get3A_152 = vector.shape_cast %get3A_151 : vector<1x16xf32> to vector<16xf32>
          %get3A_153 = arith.index_cast %add3A_121 : i32 to index
          %get3A_154 = arith.constant 0 : index
          %get3A_155 = tpu.vector_load %arg7[%get3A_153, %get3A_154] {strides = array<i32>} : memref<200x128xf32, #tpu.memory_space<vmem>>, vector<1x16xf32>,
          %get3A_156 = vector.shape_cast %get3A_155 : vector<1x16xf32> to vector<16xf32>
          %get3A_157 = arith.index_cast %add3A_121 : i32 to index
          %get3A_158 = arith.constant 16 : index
          %get3A_159 = tpu.vector_load %arg7[%get3A_157, %get3A_158] {strides = array<i32>} : memref<200x128xf32, #tpu.memory_space<vmem>>, vector<1x16xf32>,
          %get3A_160 = vector.shape_cast %get3A_159 : vector<1x16xf32> to vector<16xf32>
          %get3A_161 = arith.index_cast %add3A_121 : i32 to index
          %get3A_162 = arith.constant 32 : index
          %get3A_163 = tpu.vector_load %arg7[%get3A_161, %get3A_162] {strides = array<i32>} : memref<200x128xf32, #tpu.memory_space<vmem>>, vector<1x16xf32>,
          %get3A_164 = vector.shape_cast %get3A_163 : vector<1x16xf32> to vector<16xf32>
          %get3A_165 = arith.index_cast %add3A_121 : i32 to index
          %get3A_166 = arith.constant 48 : index
          %get3A_167 = tpu.vector_load %arg7[%get3A_165, %get3A_166] {strides = array<i32>} : memref<200x128xf32, #tpu.memory_space<vmem>>, vector<1x16xf32>,
          %get3A_168 = vector.shape_cast %get3A_167 : vector<1x16xf32> to vector<16xf32>
          %get3A_169 = arith.index_cast %add3A_121 : i32 to index
          %get3A_170 = arith.constant 64 : index
          %get3A_171 = tpu.vector_load %arg7[%get3A_169, %get3A_170] {strides = array<i32>} : memref<200x128xf32, #tpu.memory_space<vmem>>, vector<1x16xf32>,
          %get3A_172 = vector.shape_cast %get3A_171 : vector<1x16xf32> to vector<16xf32>
          %get3A_173 = arith.index_cast %add3A_121 : i32 to index
          %get3A_174 = arith.constant 80 : index
          %get3A_175 = tpu.vector_load %arg7[%get3A_173, %get3A_174] {strides = array<i32>} : memref<200x128xf32, #tpu.memory_space<vmem>>, vector<1x16xf32>,
          %get3A_176 = vector.shape_cast %get3A_175 : vector<1x16xf32> to vector<16xf32>
          %get3A_177 = arith.index_cast %add3A_121 : i32 to index
          %get3A_178 = arith.constant 96 : index
          %get3A_179 = tpu.vector_load %arg7[%get3A_177, %get3A_178] {strides = array<i32>} : memref<200x128xf32, #tpu.memory_space<vmem>>, vector<1x16xf32>,
          %get3A_180 = vector.shape_cast %get3A_179 : vector<1x16xf32> to vector<16xf32>
          %get3A_181 = arith.index_cast %add3A_121 : i32 to index
          %get3A_182 = arith.constant 112 : index
          %get3A_183 = tpu.vector_load %arg7[%get3A_181, %get3A_182] {strides = array<i32>} : memref<200x128xf32, #tpu.memory_space<vmem>>, vector<1x16xf32>,
          %get3A_184 = vector.shape_cast %get3A_183 : vector<1x16xf32> to vector<16xf32>
          %mul3A_185 = arith.constant 316.227753 : f32
          %mul3A_186 = vector.broadcast %mul3A_185 : f32 to vector<16xf32>
          %mul3A_187 = arith.mulf %get3A_124, %mul3A_186 : vector<16xf32>
          %add3A_188 = arith.addf %mul3A_187, %get3A_156 : vector<16xf32>
          %mul3A_189 = arith.constant 316.227753 : f32
          %mul3A_190 = vector.broadcast %mul3A_189 : f32 to vector<16xf32>
          %mul3A_191 = arith.mulf %get3A_128, %mul3A_190 : vector<16xf32>
          %add3A_192 = arith.addf %mul3A_191, %get3A_160 : vector<16xf32>
          %mul3A_193 = arith.constant 316.227753 : f32
          %mul3A_194 = vector.broadcast %mul3A_193 : f32 to vector<16xf32>
          %mul3A_195 = arith.mulf %get3A_132, %mul3A_194 : vector<16xf32>
          %add3A_196 = arith.addf %mul3A_195, %get3A_164 : vector<16xf32>
          %mul3A_197 = arith.constant 316.227753 : f32
          %mul3A_198 = vector.broadcast %mul3A_197 : f32 to vector<16xf32>
          %mul3A_199 = arith.mulf %get3A_136, %mul3A_198 : vector<16xf32>
          %add3A_200 = arith.addf %mul3A_199, %get3A_168 : vector<16xf32>
          %mul3A_201 = arith.constant 316.227753 : f32
          %mul3A_202 = vector.broadcast %mul3A_201 : f32 to vector<16xf32>
          %mul3A_203 = arith.mulf %get3A_140, %mul3A_202 : vector<16xf32>
          %add3A_204 = arith.addf %mul3A_203, %get3A_172 : vector<16xf32>
          %mul3A_205 = arith.constant 316.227753 : f32
          %mul3A_206 = vector.broadcast %mul3A_205 : f32 to vector<16xf32>
          %mul3A_207 = arith.mulf %get3A_144, %mul3A_206 : vector<16xf32>
          %add3A_208 = arith.addf %mul3A_207, %get3A_176 : vector<16xf32>
          %mul3A_209 = arith.constant 316.227753 : f32
          %mul3A_210 = vector.broadcast %mul3A_209 : f32 to vector<16xf32>
          %mul3A_211 = arith.mulf %get3A_148, %mul3A_210 : vector<16xf32>
          %add3A_212 = arith.addf %mul3A_211, %get3A_180 : vector<16xf32>
          %mul3A_213 = arith.constant 316.227753 : f32
          %mul3A_214 = vector.broadcast %mul3A_213 : f32 to vector<16xf32>
          %mul3A_215 = arith.mulf %get3A_152, %mul3A_214 : vector<16xf32>
          %add3A_216 = arith.addf %mul3A_215, %get3A_184 : vector<16xf32>
          %swap3A = arith.index_cast %scan3A_120 : i32 to index
          %swap3A_217 = arith.constant 0 : index
          %swap3A_218 = tpu.vector_load %arg12[%swap3A, %swap3A_217] {strides = array<i32>} : memref<100x128xf32, #tpu.memory_space<vmem>>, vector<1x16xf32>,
          %swap3A_219 = vector.shape_cast %swap3A_218 : vector<1x16xf32> to vector<16xf32>
          %swap3A_220 = vector.shape_cast %add3A_188 : vector<16xf32> to vector<1x16xf32>
          tpu.vector_store %arg12[%swap3A, %swap3A_217], %swap3A_220 {strides = array<i32>} : memref<100x128xf32, #tpu.memory_space<vmem>>, vector<1x16xf32>,
          %swap3A_221 = arith.index_cast %scan3A_120 : i32 to index
          %swap3A_222 = arith.constant 16 : index
          %swap3A_223 = tpu.vector_load %arg12[%swap3A_221, %swap3A_222] {strides = array<i32>} : memref<100x128xf32, #tpu.memory_space<vmem>>, vector<1x16xf32>,
          %swap3A_224 = vector.shape_cast %swap3A_223 : vector<1x16xf32> to vector<16xf32>
          %swap3A_225 = vector.shape_cast %add3A_192 : vector<16xf32> to vector<1x16xf32>
          tpu.vector_store %arg12[%swap3A_221, %swap3A_222], %swap3A_225 {strides = array<i32>} : memref<100x128xf32, #tpu.memory_space<vmem>>, vector<1x16xf32>,
          %swap3A_226 = arith.index_cast %scan3A_120 : i32 to index
          %swap3A_227 = arith.constant 32 : index
          %swap3A_228 = tpu.vector_load %arg12[%swap3A_226, %swap3A_227] {strides = array<i32>} : memref<100x128xf32, #tpu.memory_space<vmem>>, vector<1x16xf32>,
          %swap3A_229 = vector.shape_cast %swap3A_228 : vector<1x16xf32> to vector<16xf32>
          %swap3A_230 = vector.shape_cast %add3A_196 : vector<16xf32> to vector<1x16xf32>
          tpu.vector_store %arg12[%swap3A_226, %swap3A_227], %swap3A_230 {strides = array<i32>} : memref<100x128xf32, #tpu.memory_space<vmem>>, vector<1x16xf32>,
          %swap3A_231 = arith.index_cast %scan3A_120 : i32 to index
          %swap3A_232 = arith.constant 48 : index
          %swap3A_233 = tpu.vector_load %arg12[%swap3A_231, %swap3A_232] {strides = array<i32>} : memref<100x128xf32, #tpu.memory_space<vmem>>, vector<1x16xf32>,
          %swap3A_234 = vector.shape_cast %swap3A_233 : vector<1x16xf32> to vector<16xf32>
          %swap3A_235 = vector.shape_cast %add3A_200 : vector<16xf32> to vector<1x16xf32>
          tpu.vector_store %arg12[%swap3A_231, %swap3A_232], %swap3A_235 {strides = array<i32>} : memref<100x128xf32, #tpu.memory_space<vmem>>, vector<1x16xf32>,
          %swap3A_236 = arith.index_cast %scan3A_120 : i32 to index
          %swap3A_237 = arith.constant 64 : index
          %swap3A_238 = tpu.vector_load %arg12[%swap3A_236, %swap3A_237] {strides = array<i32>} : memref<100x128xf32, #tpu.memory_space<vmem>>, vector<1x16xf32>,
          %swap3A_239 = vector.shape_cast %swap3A_238 : vector<1x16xf32> to vector<16xf32>
          %swap3A_240 = vector.shape_cast %add3A_204 : vector<16xf32> to vector<1x16xf32>
          tpu.vector_store %arg12[%swap3A_236, %swap3A_237], %swap3A_240 {strides = array<i32>} : memref<100x128xf32, #tpu.memory_space<vmem>>, vector<1x16xf32>,
          %swap3A_241 = arith.index_cast %scan3A_120 : i32 to index
          %swap3A_242 = arith.constant 80 : index
          %swap3A_243 = tpu.vector_load %arg12[%swap3A_241, %swap3A_242] {strides = array<i32>} : memref<100x128xf32, #tpu.memory_space<vmem>>, vector<1x16xf32>,
          %swap3A_244 = vector.shape_cast %swap3A_243 : vector<1x16xf32> to vector<16xf32>
          %swap3A_245 = vector.shape_cast %add3A_208 : vector<16xf32> to vector<1x16xf32>
          tpu.vector_store %arg12[%swap3A_241, %swap3A_242], %swap3A_245 {strides = array<i32>} : memref<100x128xf32, #tpu.memory_space<vmem>>, vector<1x16xf32>,
          %swap3A_246 = arith.index_cast %scan3A_120 : i32 to index
          %swap3A_247 = arith.constant 96 : index
          %swap3A_248 = tpu.vector_load %arg12[%swap3A_246, %swap3A_247] {strides = array<i32>} : memref<100x128xf32, #tpu.memory_space<vmem>>, vector<1x16xf32>,
          %swap3A_249 = vector.shape_cast %swap3A_248 : vector<1x16xf32> to vector<16xf32>
          %swap3A_250 = vector.shape_cast %add3A_212 : vector<16xf32> to vector<1x16xf32>
          tpu.vector_store %arg12[%swap3A_246, %swap3A_247], %swap3A_250 {strides = array<i32>} : memref<100x128xf32, #tpu.memory_space<vmem>>, vector<1x16xf32>,
          %swap3A_251 = arith.index_cast %scan3A_120 : i32 to index
          %swap3A_252 = arith.constant 112 : index
          %swap3A_253 = tpu.vector_load %arg12[%swap3A_251, %swap3A_252] {strides = array<i32>} : memref<100x128xf32, #tpu.memory_space<vmem>>, vector<1x16xf32>,
          %swap3A_254 = vector.shape_cast %swap3A_253 : vector<1x16xf32> to vector<16xf32>
          %swap3A_255 = vector.shape_cast %add3A_216 : vector<16xf32> to vector<1x16xf32>
          tpu.vector_store %arg12[%swap3A_251, %swap3A_252], %swap3A_255 {strides = array<i32>} : memref<100x128xf32, #tpu.memory_space<vmem>>, vector<1x16xf32>,
          %scan3A_256 = arith.constant 1 : i32
          %scan3A_257 = arith.addi %scan3A_120, %scan3A_256 : i32
          %add3A_258 = arith.addi %mul3A_104, %scan3A_257 : i32
          %get3A_259 = arith.index_cast %scan3A_257 : i32 to index
          %get3A_260 = arith.constant 0 : index
          %get3A_261 = tpu.vector_load %arg9[%get3A_259, %get3A_260] {strides = array<i32>} : memref<100x128xf32, #tpu.memory_space<vmem>>, vector<1x16xf32>,
          %get3A_262 = vector.shape_cast %get3A_261 : vector<1x16xf32> to vector<16xf32>
          %get3A_263 = arith.index_cast %scan3A_257 : i32 to index
          %get3A_264 = arith.constant 16 : index
          %get3A_265 = tpu.vector_load %arg9[%get3A_263, %get3A_264] {strides = array<i32>} : memref<100x128xf32, #tpu.memory_space<vmem>>, vector<1x16xf32>,
          %get3A_266 = vector.shape_cast %get3A_265 : vector<1x16xf32> to vector<16xf32>
          %get3A_267 = arith.index_cast %scan3A_257 : i32 to index
          %get3A_268 = arith.constant 32 : index
          %get3A_269 = tpu.vector_load %arg9[%get3A_267, %get3A_268] {strides = array<i32>} : memref<100x128xf32, #tpu.memory_space<vmem>>, vector<1x16xf32>,
          %get3A_270 = vector.shape_cast %get3A_269 : vector<1x16xf32> to vector<16xf32>
          %get3A_271 = arith.index_cast %scan3A_257 : i32 to index
          %get3A_272 = arith.constant 48 : index
          %get3A_273 = tpu.vector_load %arg9[%get3A_271, %get3A_272] {strides = array<i32>} : memref<100x128xf32, #tpu.memory_space<vmem>>, vector<1x16xf32>,
          %get3A_274 = vector.shape_cast %get3A_273 : vector<1x16xf32> to vector<16xf32>
          %get3A_275 = arith.index_cast %scan3A_257 : i32 to index
          %get3A_276 = arith.constant 64 : index
          %get3A_277 = tpu.vector_load %arg9[%get3A_275, %get3A_276] {strides = array<i32>} : memref<100x128xf32, #tpu.memory_space<vmem>>, vector<1x16xf32>,
          %get3A_278 = vector.shape_cast %get3A_277 : vector<1x16xf32> to vector<16xf32>
          %get3A_279 = arith.index_cast %scan3A_257 : i32 to index
          %get3A_280 = arith.constant 80 : index
          %get3A_281 = tpu.vector_load %arg9[%get3A_279, %get3A_280] {strides = array<i32>} : memref<100x128xf32, #tpu.memory_space<vmem>>, vector<1x16xf32>,
          %get3A_282 = vector.shape_cast %get3A_281 : vector<1x16xf32> to vector<16xf32>
          %get3A_283 = arith.index_cast %scan3A_257 : i32 to index
          %get3A_284 = arith.constant 96 : index
          %get3A_285 = tpu.vector_load %arg9[%get3A_283, %get3A_284] {strides = array<i32>} : memref<100x128xf32, #tpu.memory_space<vmem>>, vector<1x16xf32>,
          %get3A_286 = vector.shape_cast %get3A_285 : vector<1x16xf32> to vector<16xf32>
          %get3A_287 = arith.index_cast %scan3A_257 : i32 to index
          %get3A_288 = arith.constant 112 : index
          %get3A_289 = tpu.vector_load %arg9[%get3A_287, %get3A_288] {strides = array<i32>} : memref<100x128xf32, #tpu.memory_space<vmem>>, vector<1x16xf32>,
          %get3A_290 = vector.shape_cast %get3A_289 : vector<1x16xf32> to vector<16xf32>
          %get3A_291 = arith.index_cast %add3A_258 : i32 to index
          %get3A_292 = arith.constant 0 : index
          %get3A_293 = tpu.vector_load %arg7[%get3A_291, %get3A_292] {strides = array<i32>} : memref<200x128xf32, #tpu.memory_space<vmem>>, vector<1x16xf32>,
          %get3A_294 = vector.shape_cast %get3A_293 : vector<1x16xf32> to vector<16xf32>
          %get3A_295 = arith.index_cast %add3A_258 : i32 to index
          %get3A_296 = arith.constant 16 : index
          %get3A_297 = tpu.vector_load %arg7[%get3A_295, %get3A_296] {strides = array<i32>} : memref<200x128xf32, #tpu.memory_space<vmem>>, vector<1x16xf32>,
          %get3A_298 = vector.shape_cast %get3A_297 : vector<1x16xf32> to vector<16xf32>
          %get3A_299 = arith.index_cast %add3A_258 : i32 to index
          %get3A_300 = arith.constant 32 : index
          %get3A_301 = tpu.vector_load %arg7[%get3A_299, %get3A_300] {strides = array<i32>} : memref<200x128xf32, #tpu.memory_space<vmem>>, vector<1x16xf32>,
          %get3A_302 = vector.shape_cast %get3A_301 : vector<1x16xf32> to vector<16xf32>
          %get3A_303 = arith.index_cast %add3A_258 : i32 to index
          %get3A_304 = arith.constant 48 : index
          %get3A_305 = tpu.vector_load %arg7[%get3A_303, %get3A_304] {strides = array<i32>} : memref<200x128xf32, #tpu.memory_space<vmem>>, vector<1x16xf32>,
          %get3A_306 = vector.shape_cast %get3A_305 : vector<1x16xf32> to vector<16xf32>
          %get3A_307 = arith.index_cast %add3A_258 : i32 to index
          %get3A_308 = arith.constant 64 : index
          %get3A_309 = tpu.vector_load %arg7[%get3A_307, %get3A_308] {strides = array<i32>} : memref<200x128xf32, #tpu.memory_space<vmem>>, vector<1x16xf32>,
          %get3A_310 = vector.shape_cast %get3A_309 : vector<1x16xf32> to vector<16xf32>
          %get3A_311 = arith.index_cast %add3A_258 : i32 to index
          %get3A_312 = arith.constant 80 : index
          %get3A_313 = tpu.vector_load %arg7[%get3A_311, %get3A_312] {strides = array<i32>} : memref<200x128xf32, #tpu.memory_space<vmem>>, vector<1x16xf32>,
          %get3A_314 = vector.shape_cast %get3A_313 : vector<1x16xf32> to vector<16xf32>
          %get3A_315 = arith.index_cast %add3A_258 : i32 to index
          %get3A_316 = arith.constant 96 : index
          %get3A_317 = tpu.vector_load %arg7[%get3A_315, %get3A_316] {strides = array<i32>} : memref<200x128xf32, #tpu.memory_space<vmem>>, vector<1x16xf32>,
          %get3A_318 = vector.shape_cast %get3A_317 : vector<1x16xf32> to vector<16xf32>
          %get3A_319 = arith.index_cast %add3A_258 : i32 to index
          %get3A_320 = arith.constant 112 : index
          %get3A_321 = tpu.vector_load %arg7[%get3A_319, %get3A_320] {strides = array<i32>} : memref<200x128xf32, #tpu.memory_space<vmem>>, vector<1x16xf32>,
          %get3A_322 = vector.shape_cast %get3A_321 : vector<1x16xf32> to vector<16xf32>
          %mul3A_323 = arith.constant 316.227753 : f32
          %mul3A_324 = vector.broadcast %mul3A_323 : f32 to vector<16xf32>
          %mul3A_325 = arith.mulf %get3A_262, %mul3A_324 : vector<16xf32>
          %add3A_326 = arith.addf %mul3A_325, %get3A_294 : vector<16xf32>
          %mul3A_327 = arith.constant 316.227753 : f32
          %mul3A_328 = vector.broadcast %mul3A_327 : f32 to vector<16xf32>
          %mul3A_329 = arith.mulf %get3A_266, %mul3A_328 : vector<16xf32>
          %add3A_330 = arith.addf %mul3A_329, %get3A_298 : vector<16xf32>
          %mul3A_331 = arith.constant 316.227753 : f32
          %mul3A_332 = vector.broadcast %mul3A_331 : f32 to vector<16xf32>
          %mul3A_333 = arith.mulf %get3A_270, %mul3A_332 : vector<16xf32>
          %add3A_334 = arith.addf %mul3A_333, %get3A_302 : vector<16xf32>
          %mul3A_335 = arith.constant 316.227753 : f32
          %mul3A_336 = vector.broadcast %mul3A_335 : f32 to vector<16xf32>
          %mul3A_337 = arith.mulf %get3A_274, %mul3A_336 : vector<16xf32>
          %add3A_338 = arith.addf %mul3A_337, %get3A_306 : vector<16xf32>
          %mul3A_339 = arith.constant 316.227753 : f32
          %mul3A_340 = vector.broadcast %mul3A_339 : f32 to vector<16xf32>
          %mul3A_341 = arith.mulf %get3A_278, %mul3A_340 : vector<16xf32>
          %add3A_342 = arith.addf %mul3A_341, %get3A_310 : vector<16xf32>
          %mul3A_343 = arith.constant 316.227753 : f32
          %mul3A_344 = vector.broadcast %mul3A_343 : f32 to vector<16xf32>
          %mul3A_345 = arith.mulf %get3A_282, %mul3A_344 : vector<16xf32>
          %add3A_346 = arith.addf %mul3A_345, %get3A_314 : vector<16xf32>
          %mul3A_347 = arith.constant 316.227753 : f32
          %mul3A_348 = vector.broadcast %mul3A_347 : f32 to vector<16xf32>
          %mul3A_349 = arith.mulf %get3A_286, %mul3A_348 : vector<16xf32>
          %add3A_350 = arith.addf %mul3A_349, %get3A_318 : vector<16xf32>
          %mul3A_351 = arith.constant 316.227753 : f32
          %mul3A_352 = vector.broadcast %mul3A_351 : f32 to vector<16xf32>
          %mul3A_353 = arith.mulf %get3A_290, %mul3A_352 : vector<16xf32>
          %add3A_354 = arith.addf %mul3A_353, %get3A_322 : vector<16xf32>
          %swap3A_355 = arith.index_cast %scan3A_257 : i32 to index
          %swap3A_356 = arith.constant 0 : index
          %swap3A_357 = tpu.vector_load %arg12[%swap3A_355, %swap3A_356] {strides = array<i32>} : memref<100x128xf32, #tpu.memory_space<vmem>>, vector<1x16xf32>,
          %swap3A_358 = vector.shape_cast %swap3A_357 : vector<1x16xf32> to vector<16xf32>
          %swap3A_359 = vector.shape_cast %add3A_326 : vector<16xf32> to vector<1x16xf32>
          tpu.vector_store %arg12[%swap3A_355, %swap3A_356], %swap3A_359 {strides = array<i32>} : memref<100x128xf32, #tpu.memory_space<vmem>>, vector<1x16xf32>,
          %swap3A_360 = arith.index_cast %scan3A_257 : i32 to index
          %swap3A_361 = arith.constant 16 : index
          %swap3A_362 = tpu.vector_load %arg12[%swap3A_360, %swap3A_361] {strides = array<i32>} : memref<100x128xf32, #tpu.memory_space<vmem>>, vector<1x16xf32>,
          %swap3A_363 = vector.shape_cast %swap3A_362 : vector<1x16xf32> to vector<16xf32>
          %swap3A_364 = vector.shape_cast %add3A_330 : vector<16xf32> to vector<1x16xf32>
          tpu.vector_store %arg12[%swap3A_360, %swap3A_361], %swap3A_364 {strides = array<i32>} : memref<100x128xf32, #tpu.memory_space<vmem>>, vector<1x16xf32>,
          %swap3A_365 = arith.index_cast %scan3A_257 : i32 to index
          %swap3A_366 = arith.constant 32 : index
          %swap3A_367 = tpu.vector_load %arg12[%swap3A_365, %swap3A_366] {strides = array<i32>} : memref<100x128xf32, #tpu.memory_space<vmem>>, vector<1x16xf32>,
          %swap3A_368 = vector.shape_cast %swap3A_367 : vector<1x16xf32> to vector<16xf32>
          %swap3A_369 = vector.shape_cast %add3A_334 : vector<16xf32> to vector<1x16xf32>
          tpu.vector_store %arg12[%swap3A_365, %swap3A_366], %swap3A_369 {strides = array<i32>} : memref<100x128xf32, #tpu.memory_space<vmem>>, vector<1x16xf32>,
          %swap3A_370 = arith.index_cast %scan3A_257 : i32 to index
          %swap3A_371 = arith.constant 48 : index
          %swap3A_372 = tpu.vector_load %arg12[%swap3A_370, %swap3A_371] {strides = array<i32>} : memref<100x128xf32, #tpu.memory_space<vmem>>, vector<1x16xf32>,
          %swap3A_373 = vector.shape_cast %swap3A_372 : vector<1x16xf32> to vector<16xf32>
          %swap3A_374 = vector.shape_cast %add3A_338 : vector<16xf32> to vector<1x16xf32>
          tpu.vector_store %arg12[%swap3A_370, %swap3A_371], %swap3A_374 {strides = array<i32>} : memref<100x128xf32, #tpu.memory_space<vmem>>, vector<1x16xf32>,
          %swap3A_375 = arith.index_cast %scan3A_257 : i32 to index
          %swap3A_376 = arith.constant 64 : index
          %swap3A_377 = tpu.vector_load %arg12[%swap3A_375, %swap3A_376] {strides = array<i32>} : memref<100x128xf32, #tpu.memory_space<vmem>>, vector<1x16xf32>,
          %swap3A_378 = vector.shape_cast %swap3A_377 : vector<1x16xf32> to vector<16xf32>
          %swap3A_379 = vector.shape_cast %add3A_342 : vector<16xf32> to vector<1x16xf32>
          tpu.vector_store %arg12[%swap3A_375, %swap3A_376], %swap3A_379 {strides = array<i32>} : memref<100x128xf32, #tpu.memory_space<vmem>>, vector<1x16xf32>,
          %swap3A_380 = arith.index_cast %scan3A_257 : i32 to index
          %swap3A_381 = arith.constant 80 : index
          %swap3A_382 = tpu.vector_load %arg12[%swap3A_380, %swap3A_381] {strides = array<i32>} : memref<100x128xf32, #tpu.memory_space<vmem>>, vector<1x16xf32>,
          %swap3A_383 = vector.shape_cast %swap3A_382 : vector<1x16xf32> to vector<16xf32>
          %swap3A_384 = vector.shape_cast %add3A_346 : vector<16xf32> to vector<1x16xf32>
          tpu.vector_store %arg12[%swap3A_380, %swap3A_381], %swap3A_384 {strides = array<i32>} : memref<100x128xf32, #tpu.memory_space<vmem>>, vector<1x16xf32>,
          %swap3A_385 = arith.index_cast %scan3A_257 : i32 to index
          %swap3A_386 = arith.constant 96 : index
          %swap3A_387 = tpu.vector_load %arg12[%swap3A_385, %swap3A_386] {strides = array<i32>} : memref<100x128xf32, #tpu.memory_space<vmem>>, vector<1x16xf32>,
          %swap3A_388 = vector.shape_cast %swap3A_387 : vector<1x16xf32> to vector<16xf32>
          %swap3A_389 = vector.shape_cast %add3A_350 : vector<16xf32> to vector<1x16xf32>
          tpu.vector_store %arg12[%swap3A_385, %swap3A_386], %swap3A_389 {strides = array<i32>} : memref<100x128xf32, #tpu.memory_space<vmem>>, vector<1x16xf32>,
          %swap3A_390 = arith.index_cast %scan3A_257 : i32 to index
          %swap3A_391 = arith.constant 112 : index
          %swap3A_392 = tpu.vector_load %arg12[%swap3A_390, %swap3A_391] {strides = array<i32>} : memref<100x128xf32, #tpu.memory_space<vmem>>, vector<1x16xf32>,
          %swap3A_393 = vector.shape_cast %swap3A_392 : vector<1x16xf32> to vector<16xf32>
          %swap3A_394 = vector.shape_cast %add3A_354 : vector<16xf32> to vector<1x16xf32>
          tpu.vector_store %arg12[%swap3A_390, %swap3A_391], %swap3A_394 {strides = array<i32>} : memref<100x128xf32, #tpu.memory_space<vmem>>, vector<1x16xf32>,
        }
        %scan3A_110 = arith.constant 100 : i32
        %add3A_111 = arith.addi %mul3A_2, %add3A_60 : i32
        %dma_start3A_112 = arith.constant 0 : i32
        %dma_start3A_113 = arith.constant 0 : i32
        %dma_start3A_114 = tpu.memref_slice %arg5[%add3A_111, %dma_start3A_112, %dma_start3A_113] : memref<2048x100x128xf32, #tpu.memory_space<hbm>> -> memref<1x100x128xf32, #tpu.memory_space<hbm>>
        %dma_start3A_115 = tpu.memref_squeeze %dma_start3A_114 : memref<1x100x128xf32, #tpu.memory_space<hbm>> -> memref<100x128xf32, #tpu.memory_space<hbm>>
        %dma_start3A_116 = arith.constant 0 : i32
        %dma_start3A_117 = arith.constant 0 : i32
        %dma_start3A_118 = tpu.memref_slice %arg5[%add3A_111, %dma_start3A_116, %dma_start3A_117] : memref<2048x100x128xf32, #tpu.memory_space<hbm>> -> memref<1x100x128xf32, #tpu.memory_space<hbm>>
        %dma_start3A_119 = tpu.memref_squeeze %dma_start3A_118 : memref<1x100x128xf32, #tpu.memory_space<hbm>> -> memref<100x128xf32, #tpu.memory_space<hbm>>
        tpu.enqueue_dma source(%arg12 : memref<100x128xf32, #tpu.memory_space<vmem>>) target(%dma_start3A_119 : memref<100x128xf32, #tpu.memory_space<hbm>>) target_semaphore(%arg18 : memref<!tpu.dma_semaphore, #tpu.memory_space<semaphore_mem>>)
      } else {
      }
      %mul3A_66 = arith.constant 3 : i32
      %mul3A_67 = arith.muli %scan3A_50, %mul3A_66 : i32
      %add3A_68 = arith.constant 2 : i32
      %add3A_69 = arith.addi %mul3A_67, %add3A_68 : i32
      %lt3A_70 = arith.constant 64 : i32
      %lt3A_71 = arith.cmpi slt, %add3A_69, %lt3A_70 : i32
      %convert_element_type3A_72 = arith.extui %lt3A_71 : i1 to i32
      %cond3A_73 = arith.constant 0 : i32
      %cond3A_74 = arith.cmpi ne, %convert_element_type3A_72, %cond3A_73 : i32
      scf.if %cond3A_74 {
        %dma_wait3A_75 = arith.constant 0 : i32
        %dma_wait3A_76 = tpu.memref_slice %arg6[%add3A_69, %dma_wait3A_75] : memref<64x100xi32, #tpu.memory_space<vmem>> -> memref<1x100xi32, #tpu.memory_space<vmem>>
        %dma_wait3A_77 = tpu.memref_squeeze %dma_wait3A_76 : memref<1x100xi32, #tpu.memory_space<vmem>> -> memref<100xi32, #tpu.memory_space<vmem>>
        %dma_wait3A_78 = arith.constant 0 : i32
        %dma_wait3A_79 = arith.constant 0 : i32
        %dma_wait3A_80 = tpu.memref_slice %arg3[%dma_wait3A_78, %dma_wait3A_79] : memref<100000x128xf32, #tpu.memory_space<hbm>> -> memref<100000x128xf32, #tpu.memory_space<hbm>>
        tpu.wait_indirect_dma semaphore(%arg16 : memref<!tpu.dma_semaphore, #tpu.memory_space<semaphore_mem>>) src(%dma_wait3A_80 : memref<100000x128xf32, #tpu.memory_space<hbm>>) dst(%arg10 : memref<100x128xf32, #tpu.memory_space<vmem>>)
        %add3A_81 = arith.constant 2 : i32
        %add3A_82 = arith.addi %add3A_69, %add3A_81 : i32
        %lt3A_83 = arith.constant 64 : i32
        %lt3A_84 = arith.cmpi slt, %add3A_82, %lt3A_83 : i32
        %convert_element_type3A_85 = arith.extui %lt3A_84 : i1 to i32
        %cond3A_86 = arith.constant 0 : i32
        %cond3A_87 = arith.cmpi ne, %convert_element_type3A_85, %cond3A_86 : i32
        scf.if %cond3A_87 {
          %add3A_120 = arith.constant 2 : i32
          %add3A_121 = arith.addi %add3A_69, %add3A_120 : i32
          %dma_start3A_122 = arith.constant 0 : i32
          %dma_start3A_123 = tpu.memref_slice %arg6[%add3A_121, %dma_start3A_122] : memref<64x100xi32, #tpu.memory_space<vmem>> -> memref<1x100xi32, #tpu.memory_space<vmem>>
          %dma_start3A_124 = tpu.memref_squeeze %dma_start3A_123 : memref<1x100xi32, #tpu.memory_space<vmem>> -> memref<100xi32, #tpu.memory_space<vmem>>
          %dma_start3A_125 = arith.constant 0 : i32
          %dma_start3A_126 = arith.constant 0 : i32
          %dma_start3A_127 = tpu.memref_slice %arg3[%dma_start3A_125, %dma_start3A_126] : memref<100000x128xf32, #tpu.memory_space<hbm>> -> memref<100000x128xf32, #tpu.memory_space<hbm>>
          tpu.enqueue_indirect_dma source(%dma_start3A_127 : memref<100000x128xf32, #tpu.memory_space<hbm>>) target(%arg9 : memref<100x128xf32, #tpu.memory_space<vmem>>) offsets(%dma_start3A_124 : memref<100xi32, #tpu.memory_space<vmem>>) semaphore(%arg15 : memref<!tpu.dma_semaphore, #tpu.memory_space<semaphore_mem>>)
        } else {
        }
        %ge3A = arith.constant 3 : i32
        %ge3A_88 = arith.cmpi sge, %add3A_69, %ge3A : i32
        %convert_element_type3A_89 = arith.extui %ge3A_88 : i1 to i32
        %cond3A_90 = arith.constant 0 : i32
        %cond3A_91 = arith.cmpi ne, %convert_element_type3A_89, %cond3A_90 : i32
        scf.if %cond3A_91 {
          %add3A_120 = arith.addi %mul3A_2, %add3A_69 : i32
          %sub3A = arith.constant 3 : i32
          %sub3A_121 = arith.subi %add3A_120, %sub3A : i32
          %dma_wait3A_122 = arith.constant 0 : i32
          %dma_wait3A_123 = arith.constant 0 : i32
          %dma_wait3A_124 = tpu.memref_slice %arg5[%sub3A_121, %dma_wait3A_122, %dma_wait3A_123] : memref<2048x100x128xf32, #tpu.memory_space<hbm>> -> memref<1x100x128xf32, #tpu.memory_space<hbm>>
          %dma_wait3A_125 = tpu.memref_squeeze %dma_wait3A_124 : memref<1x100x128xf32, #tpu.memory_space<hbm>> -> memref<100x128xf32, #tpu.memory_space<hbm>>
          %dma_wait3A_126 = arith.constant 0 : i32
          %dma_wait3A_127 = arith.constant 0 : i32
          %dma_wait3A_128 = tpu.memref_slice %arg5[%sub3A_121, %dma_wait3A_126, %dma_wait3A_127] : memref<2048x100x128xf32, #tpu.memory_space<hbm>> -> memref<1x100x128xf32, #tpu.memory_space<hbm>>
          %dma_wait3A_129 = tpu.memref_squeeze %dma_wait3A_128 : memref<1x100x128xf32, #tpu.memory_space<hbm>> -> memref<100x128xf32, #tpu.memory_space<hbm>>
          tpu.wait_dma2 semaphore(%arg19 : memref<!tpu.dma_semaphore, #tpu.memory_space<semaphore_mem>>) src(%arg13 : memref<100x128xf32, #tpu.memory_space<vmem>>) dst(%dma_wait3A_129 : memref<100x128xf32, #tpu.memory_space<hbm>>)
        } else {
        }
        %add3A_92 = arith.addi %mul3A_2, %add3A_69 : i32
        %jit3A = arith.constant 2 : i32
        %eq3A = arith.constant 0 : i32
        %eq3A_93 = arith.cmpi eq, %jit3A, %eq3A : i32
        %jit3A_94 = arith.constant 1 : i32
        %select_n3A = arith.select %eq3A_93, %jit3A_94, %jit3A : i32
        %rem3A = arith.remsi %add3A_92, %select_n3A : i32
        %ne3A = arith.constant 0 : i32
        %ne3A_95 = arith.cmpi ne, %rem3A, %ne3A : i32
        %lt3A_96 = arith.constant 0 : i32
        %lt3A_97 = arith.cmpi slt, %rem3A, %lt3A_96 : i32
        %lt3A_98 = arith.constant 0 : i32
        %lt3A_99 = arith.cmpi slt, %select_n3A, %lt3A_98 : i32
        %ne3A_100 = arith.xori %lt3A_97, %lt3A_99 : i1
        %and3A = arith.andi %ne3A_100, %ne3A_95 : i1
        %add3A_101 = arith.addi %rem3A, %select_n3A : i32
        %select_n3A_102 = arith.select %and3A, %add3A_101, %rem3A : i32
        %mul3A_103 = arith.constant 100 : i32
        %mul3A_104 = arith.muli %select_n3A_102, %mul3A_103 : i32
        %scan3A_105 = arith.constant 0 : i32
        %scan3A_106 = arith.constant 0 : i32
        %scan3A_107 = arith.constant 100 : i32
        %scan3A_108 = arith.addi %scan3A_106, %scan3A_107 : i32
        %scan3A_109 = arith.constant 2 : i32
        scf.for %scan3A_120 = %scan3A_106 to %scan3A_108 step %scan3A_109  : i32 {
          %add3A_121 = arith.addi %mul3A_104, %scan3A_120 : i32
          %get3A = arith.index_cast %scan3A_120 : i32 to index
          %get3A_122 = arith.constant 0 : index
          %get3A_123 = tpu.vector_load %arg10[%get3A, %get3A_122] {strides = array<i32>} : memref<100x128xf32, #tpu.memory_space<vmem>>, vector<1x16xf32>,
          %get3A_124 = vector.shape_cast %get3A_123 : vector<1x16xf32> to vector<16xf32>
          %get3A_125 = arith.index_cast %scan3A_120 : i32 to index
          %get3A_126 = arith.constant 16 : index
          %get3A_127 = tpu.vector_load %arg10[%get3A_125, %get3A_126] {strides = array<i32>} : memref<100x128xf32, #tpu.memory_space<vmem>>, vector<1x16xf32>,
          %get3A_128 = vector.shape_cast %get3A_127 : vector<1x16xf32> to vector<16xf32>
          %get3A_129 = arith.index_cast %scan3A_120 : i32 to index
          %get3A_130 = arith.constant 32 : index
          %get3A_131 = tpu.vector_load %arg10[%get3A_129, %get3A_130] {strides = array<i32>} : memref<100x128xf32, #tpu.memory_space<vmem>>, vector<1x16xf32>,
          %get3A_132 = vector.shape_cast %get3A_131 : vector<1x16xf32> to vector<16xf32>
          %get3A_133 = arith.index_cast %scan3A_120 : i32 to index
          %get3A_134 = arith.constant 48 : index
          %get3A_135 = tpu.vector_load %arg10[%get3A_133, %get3A_134] {strides = array<i32>} : memref<100x128xf32, #tpu.memory_space<vmem>>, vector<1x16xf32>,
          %get3A_136 = vector.shape_cast %get3A_135 : vector<1x16xf32> to vector<16xf32>
          %get3A_137 = arith.index_cast %scan3A_120 : i32 to index
          %get3A_138 = arith.constant 64 : index
          %get3A_139 = tpu.vector_load %arg10[%get3A_137, %get3A_138] {strides = array<i32>} : memref<100x128xf32, #tpu.memory_space<vmem>>, vector<1x16xf32>,
          %get3A_140 = vector.shape_cast %get3A_139 : vector<1x16xf32> to vector<16xf32>
          %get3A_141 = arith.index_cast %scan3A_120 : i32 to index
          %get3A_142 = arith.constant 80 : index
          %get3A_143 = tpu.vector_load %arg10[%get3A_141, %get3A_142] {strides = array<i32>} : memref<100x128xf32, #tpu.memory_space<vmem>>, vector<1x16xf32>,
          %get3A_144 = vector.shape_cast %get3A_143 : vector<1x16xf32> to vector<16xf32>
          %get3A_145 = arith.index_cast %scan3A_120 : i32 to index
          %get3A_146 = arith.constant 96 : index
          %get3A_147 = tpu.vector_load %arg10[%get3A_145, %get3A_146] {strides = array<i32>} : memref<100x128xf32, #tpu.memory_space<vmem>>, vector<1x16xf32>,
          %get3A_148 = vector.shape_cast %get3A_147 : vector<1x16xf32> to vector<16xf32>
          %get3A_149 = arith.index_cast %scan3A_120 : i32 to index
          %get3A_150 = arith.constant 112 : index
          %get3A_151 = tpu.vector_load %arg10[%get3A_149, %get3A_150] {strides = array<i32>} : memref<100x128xf32, #tpu.memory_space<vmem>>, vector<1x16xf32>,
          %get3A_152 = vector.shape_cast %get3A_151 : vector<1x16xf32> to vector<16xf32>
          %get3A_153 = arith.index_cast %add3A_121 : i32 to index
          %get3A_154 = arith.constant 0 : index
          %get3A_155 = tpu.vector_load %arg7[%get3A_153, %get3A_154] {strides = array<i32>} : memref<200x128xf32, #tpu.memory_space<vmem>>, vector<1x16xf32>,
          %get3A_156 = vector.shape_cast %get3A_155 : vector<1x16xf32> to vector<16xf32>
          %get3A_157 = arith.index_cast %add3A_121 : i32 to index
          %get3A_158 = arith.constant 16 : index
          %get3A_159 = tpu.vector_load %arg7[%get3A_157, %get3A_158] {strides = array<i32>} : memref<200x128xf32, #tpu.memory_space<vmem>>, vector<1x16xf32>,
          %get3A_160 = vector.shape_cast %get3A_159 : vector<1x16xf32> to vector<16xf32>
          %get3A_161 = arith.index_cast %add3A_121 : i32 to index
          %get3A_162 = arith.constant 32 : index
          %get3A_163 = tpu.vector_load %arg7[%get3A_161, %get3A_162] {strides = array<i32>} : memref<200x128xf32, #tpu.memory_space<vmem>>, vector<1x16xf32>,
          %get3A_164 = vector.shape_cast %get3A_163 : vector<1x16xf32> to vector<16xf32>
          %get3A_165 = arith.index_cast %add3A_121 : i32 to index
          %get3A_166 = arith.constant 48 : index
          %get3A_167 = tpu.vector_load %arg7[%get3A_165, %get3A_166] {strides = array<i32>} : memref<200x128xf32, #tpu.memory_space<vmem>>, vector<1x16xf32>,
          %get3A_168 = vector.shape_cast %get3A_167 : vector<1x16xf32> to vector<16xf32>
          %get3A_169 = arith.index_cast %add3A_121 : i32 to index
          %get3A_170 = arith.constant 64 : index
          %get3A_171 = tpu.vector_load %arg7[%get3A_169, %get3A_170] {strides = array<i32>} : memref<200x128xf32, #tpu.memory_space<vmem>>, vector<1x16xf32>,
          %get3A_172 = vector.shape_cast %get3A_171 : vector<1x16xf32> to vector<16xf32>
          %get3A_173 = arith.index_cast %add3A_121 : i32 to index
          %get3A_174 = arith.constant 80 : index
          %get3A_175 = tpu.vector_load %arg7[%get3A_173, %get3A_174] {strides = array<i32>} : memref<200x128xf32, #tpu.memory_space<vmem>>, vector<1x16xf32>,
          %get3A_176 = vector.shape_cast %get3A_175 : vector<1x16xf32> to vector<16xf32>
          %get3A_177 = arith.index_cast %add3A_121 : i32 to index
          %get3A_178 = arith.constant 96 : index
          %get3A_179 = tpu.vector_load %arg7[%get3A_177, %get3A_178] {strides = array<i32>} : memref<200x128xf32, #tpu.memory_space<vmem>>, vector<1x16xf32>,
          %get3A_180 = vector.shape_cast %get3A_179 : vector<1x16xf32> to vector<16xf32>
          %get3A_181 = arith.index_cast %add3A_121 : i32 to index
          %get3A_182 = arith.constant 112 : index
          %get3A_183 = tpu.vector_load %arg7[%get3A_181, %get3A_182] {strides = array<i32>} : memref<200x128xf32, #tpu.memory_space<vmem>>, vector<1x16xf32>,
          %get3A_184 = vector.shape_cast %get3A_183 : vector<1x16xf32> to vector<16xf32>
          %mul3A_185 = arith.constant 316.227753 : f32
          %mul3A_186 = vector.broadcast %mul3A_185 : f32 to vector<16xf32>
          %mul3A_187 = arith.mulf %get3A_124, %mul3A_186 : vector<16xf32>
          %add3A_188 = arith.addf %mul3A_187, %get3A_156 : vector<16xf32>
          %mul3A_189 = arith.constant 316.227753 : f32
          %mul3A_190 = vector.broadcast %mul3A_189 : f32 to vector<16xf32>
          %mul3A_191 = arith.mulf %get3A_128, %mul3A_190 : vector<16xf32>
          %add3A_192 = arith.addf %mul3A_191, %get3A_160 : vector<16xf32>
          %mul3A_193 = arith.constant 316.227753 : f32
          %mul3A_194 = vector.broadcast %mul3A_193 : f32 to vector<16xf32>
          %mul3A_195 = arith.mulf %get3A_132, %mul3A_194 : vector<16xf32>
          %add3A_196 = arith.addf %mul3A_195, %get3A_164 : vector<16xf32>
          %mul3A_197 = arith.constant 316.227753 : f32
          %mul3A_198 = vector.broadcast %mul3A_197 : f32 to vector<16xf32>
          %mul3A_199 = arith.mulf %get3A_136, %mul3A_198 : vector<16xf32>
          %add3A_200 = arith.addf %mul3A_199, %get3A_168 : vector<16xf32>
          %mul3A_201 = arith.constant 316.227753 : f32
          %mul3A_202 = vector.broadcast %mul3A_201 : f32 to vector<16xf32>
          %mul3A_203 = arith.mulf %get3A_140, %mul3A_202 : vector<16xf32>
          %add3A_204 = arith.addf %mul3A_203, %get3A_172 : vector<16xf32>
          %mul3A_205 = arith.constant 316.227753 : f32
          %mul3A_206 = vector.broadcast %mul3A_205 : f32 to vector<16xf32>
          %mul3A_207 = arith.mulf %get3A_144, %mul3A_206 : vector<16xf32>
          %add3A_208 = arith.addf %mul3A_207, %get3A_176 : vector<16xf32>
          %mul3A_209 = arith.constant 316.227753 : f32
          %mul3A_210 = vector.broadcast %mul3A_209 : f32 to vector<16xf32>
          %mul3A_211 = arith.mulf %get3A_148, %mul3A_210 : vector<16xf32>
          %add3A_212 = arith.addf %mul3A_211, %get3A_180 : vector<16xf32>
          %mul3A_213 = arith.constant 316.227753 : f32
          %mul3A_214 = vector.broadcast %mul3A_213 : f32 to vector<16xf32>
          %mul3A_215 = arith.mulf %get3A_152, %mul3A_214 : vector<16xf32>
          %add3A_216 = arith.addf %mul3A_215, %get3A_184 : vector<16xf32>
          %swap3A = arith.index_cast %scan3A_120 : i32 to index
          %swap3A_217 = arith.constant 0 : index
          %swap3A_218 = tpu.vector_load %arg13[%swap3A, %swap3A_217] {strides = array<i32>} : memref<100x128xf32, #tpu.memory_space<vmem>>, vector<1x16xf32>,
          %swap3A_219 = vector.shape_cast %swap3A_218 : vector<1x16xf32> to vector<16xf32>
          %swap3A_220 = vector.shape_cast %add3A_188 : vector<16xf32> to vector<1x16xf32>
          tpu.vector_store %arg13[%swap3A, %swap3A_217], %swap3A_220 {strides = array<i32>} : memref<100x128xf32, #tpu.memory_space<vmem>>, vector<1x16xf32>,
          %swap3A_221 = arith.index_cast %scan3A_120 : i32 to index
          %swap3A_222 = arith.constant 16 : index
          %swap3A_223 = tpu.vector_load %arg13[%swap3A_221, %swap3A_222] {strides = array<i32>} : memref<100x128xf32, #tpu.memory_space<vmem>>, vector<1x16xf32>,
          %swap3A_224 = vector.shape_cast %swap3A_223 : vector<1x16xf32> to vector<16xf32>
          %swap3A_225 = vector.shape_cast %add3A_192 : vector<16xf32> to vector<1x16xf32>
          tpu.vector_store %arg13[%swap3A_221, %swap3A_222], %swap3A_225 {strides = array<i32>} : memref<100x128xf32, #tpu.memory_space<vmem>>, vector<1x16xf32>,
          %swap3A_226 = arith.index_cast %scan3A_120 : i32 to index
          %swap3A_227 = arith.constant 32 : index
          %swap3A_228 = tpu.vector_load %arg13[%swap3A_226, %swap3A_227] {strides = array<i32>} : memref<100x128xf32, #tpu.memory_space<vmem>>, vector<1x16xf32>,
          %swap3A_229 = vector.shape_cast %swap3A_228 : vector<1x16xf32> to vector<16xf32>
          %swap3A_230 = vector.shape_cast %add3A_196 : vector<16xf32> to vector<1x16xf32>
          tpu.vector_store %arg13[%swap3A_226, %swap3A_227], %swap3A_230 {strides = array<i32>} : memref<100x128xf32, #tpu.memory_space<vmem>>, vector<1x16xf32>,
          %swap3A_231 = arith.index_cast %scan3A_120 : i32 to index
          %swap3A_232 = arith.constant 48 : index
          %swap3A_233 = tpu.vector_load %arg13[%swap3A_231, %swap3A_232] {strides = array<i32>} : memref<100x128xf32, #tpu.memory_space<vmem>>, vector<1x16xf32>,
          %swap3A_234 = vector.shape_cast %swap3A_233 : vector<1x16xf32> to vector<16xf32>
          %swap3A_235 = vector.shape_cast %add3A_200 : vector<16xf32> to vector<1x16xf32>
          tpu.vector_store %arg13[%swap3A_231, %swap3A_232], %swap3A_235 {strides = array<i32>} : memref<100x128xf32, #tpu.memory_space<vmem>>, vector<1x16xf32>,
          %swap3A_236 = arith.index_cast %scan3A_120 : i32 to index
          %swap3A_237 = arith.constant 64 : index
          %swap3A_238 = tpu.vector_load %arg13[%swap3A_236, %swap3A_237] {strides = array<i32>} : memref<100x128xf32, #tpu.memory_space<vmem>>, vector<1x16xf32>,
          %swap3A_239 = vector.shape_cast %swap3A_238 : vector<1x16xf32> to vector<16xf32>
          %swap3A_240 = vector.shape_cast %add3A_204 : vector<16xf32> to vector<1x16xf32>
          tpu.vector_store %arg13[%swap3A_236, %swap3A_237], %swap3A_240 {strides = array<i32>} : memref<100x128xf32, #tpu.memory_space<vmem>>, vector<1x16xf32>,
          %swap3A_241 = arith.index_cast %scan3A_120 : i32 to index
          %swap3A_242 = arith.constant 80 : index
          %swap3A_243 = tpu.vector_load %arg13[%swap3A_241, %swap3A_242] {strides = array<i32>} : memref<100x128xf32, #tpu.memory_space<vmem>>, vector<1x16xf32>,
          %swap3A_244 = vector.shape_cast %swap3A_243 : vector<1x16xf32> to vector<16xf32>
          %swap3A_245 = vector.shape_cast %add3A_208 : vector<16xf32> to vector<1x16xf32>
          tpu.vector_store %arg13[%swap3A_241, %swap3A_242], %swap3A_245 {strides = array<i32>} : memref<100x128xf32, #tpu.memory_space<vmem>>, vector<1x16xf32>,
          %swap3A_246 = arith.index_cast %scan3A_120 : i32 to index
          %swap3A_247 = arith.constant 96 : index
          %swap3A_248 = tpu.vector_load %arg13[%swap3A_246, %swap3A_247] {strides = array<i32>} : memref<100x128xf32, #tpu.memory_space<vmem>>, vector<1x16xf32>,
          %swap3A_249 = vector.shape_cast %swap3A_248 : vector<1x16xf32> to vector<16xf32>
          %swap3A_250 = vector.shape_cast %add3A_212 : vector<16xf32> to vector<1x16xf32>
          tpu.vector_store %arg13[%swap3A_246, %swap3A_247], %swap3A_250 {strides = array<i32>} : memref<100x128xf32, #tpu.memory_space<vmem>>, vector<1x16xf32>,
          %swap3A_251 = arith.index_cast %scan3A_120 : i32 to index
          %swap3A_252 = arith.constant 112 : index
          %swap3A_253 = tpu.vector_load %arg13[%swap3A_251, %swap3A_252] {strides = array<i32>} : memref<100x128xf32, #tpu.memory_space<vmem>>, vector<1x16xf32>,
          %swap3A_254 = vector.shape_cast %swap3A_253 : vector<1x16xf32> to vector<16xf32>
          %swap3A_255 = vector.shape_cast %add3A_216 : vector<16xf32> to vector<1x16xf32>
          tpu.vector_store %arg13[%swap3A_251, %swap3A_252], %swap3A_255 {strides = array<i32>} : memref<100x128xf32, #tpu.memory_space<vmem>>, vector<1x16xf32>,
          %scan3A_256 = arith.constant 1 : i32
          %scan3A_257 = arith.addi %scan3A_120, %scan3A_256 : i32
          %add3A_258 = arith.addi %mul3A_104, %scan3A_257 : i32
          %get3A_259 = arith.index_cast %scan3A_257 : i32 to index
          %get3A_260 = arith.constant 0 : index
          %get3A_261 = tpu.vector_load %arg10[%get3A_259, %get3A_260] {strides = array<i32>} : memref<100x128xf32, #tpu.memory_space<vmem>>, vector<1x16xf32>,
          %get3A_262 = vector.shape_cast %get3A_261 : vector<1x16xf32> to vector<16xf32>
          %get3A_263 = arith.index_cast %scan3A_257 : i32 to index
          %get3A_264 = arith.constant 16 : index
          %get3A_265 = tpu.vector_load %arg10[%get3A_263, %get3A_264] {strides = array<i32>} : memref<100x128xf32, #tpu.memory_space<vmem>>, vector<1x16xf32>,
          %get3A_266 = vector.shape_cast %get3A_265 : vector<1x16xf32> to vector<16xf32>
          %get3A_267 = arith.index_cast %scan3A_257 : i32 to index
          %get3A_268 = arith.constant 32 : index
          %get3A_269 = tpu.vector_load %arg10[%get3A_267, %get3A_268] {strides = array<i32>} : memref<100x128xf32, #tpu.memory_space<vmem>>, vector<1x16xf32>,
          %get3A_270 = vector.shape_cast %get3A_269 : vector<1x16xf32> to vector<16xf32>
          %get3A_271 = arith.index_cast %scan3A_257 : i32 to index
          %get3A_272 = arith.constant 48 : index
          %get3A_273 = tpu.vector_load %arg10[%get3A_271, %get3A_272] {strides = array<i32>} : memref<100x128xf32, #tpu.memory_space<vmem>>, vector<1x16xf32>,
          %get3A_274 = vector.shape_cast %get3A_273 : vector<1x16xf32> to vector<16xf32>
          %get3A_275 = arith.index_cast %scan3A_257 : i32 to index
          %get3A_276 = arith.constant 64 : index
          %get3A_277 = tpu.vector_load %arg10[%get3A_275, %get3A_276] {strides = array<i32>} : memref<100x128xf32, #tpu.memory_space<vmem>>, vector<1x16xf32>,
          %get3A_278 = vector.shape_cast %get3A_277 : vector<1x16xf32> to vector<16xf32>
          %get3A_279 = arith.index_cast %scan3A_257 : i32 to index
          %get3A_280 = arith.constant 80 : index
          %get3A_281 = tpu.vector_load %arg10[%get3A_279, %get3A_280] {strides = array<i32>} : memref<100x128xf32, #tpu.memory_space<vmem>>, vector<1x16xf32>,
          %get3A_282 = vector.shape_cast %get3A_281 : vector<1x16xf32> to vector<16xf32>
          %get3A_283 = arith.index_cast %scan3A_257 : i32 to index
          %get3A_284 = arith.constant 96 : index
          %get3A_285 = tpu.vector_load %arg10[%get3A_283, %get3A_284] {strides = array<i32>} : memref<100x128xf32, #tpu.memory_space<vmem>>, vector<1x16xf32>,
          %get3A_286 = vector.shape_cast %get3A_285 : vector<1x16xf32> to vector<16xf32>
          %get3A_287 = arith.index_cast %scan3A_257 : i32 to index
          %get3A_288 = arith.constant 112 : index
          %get3A_289 = tpu.vector_load %arg10[%get3A_287, %get3A_288] {strides = array<i32>} : memref<100x128xf32, #tpu.memory_space<vmem>>, vector<1x16xf32>,
          %get3A_290 = vector.shape_cast %get3A_289 : vector<1x16xf32> to vector<16xf32>
          %get3A_291 = arith.index_cast %add3A_258 : i32 to index
          %get3A_292 = arith.constant 0 : index
          %get3A_293 = tpu.vector_load %arg7[%get3A_291, %get3A_292] {strides = array<i32>} : memref<200x128xf32, #tpu.memory_space<vmem>>, vector<1x16xf32>,
          %get3A_294 = vector.shape_cast %get3A_293 : vector<1x16xf32> to vector<16xf32>
          %get3A_295 = arith.index_cast %add3A_258 : i32 to index
          %get3A_296 = arith.constant 16 : index
          %get3A_297 = tpu.vector_load %arg7[%get3A_295, %get3A_296] {strides = array<i32>} : memref<200x128xf32, #tpu.memory_space<vmem>>, vector<1x16xf32>,
          %get3A_298 = vector.shape_cast %get3A_297 : vector<1x16xf32> to vector<16xf32>
          %get3A_299 = arith.index_cast %add3A_258 : i32 to index
          %get3A_300 = arith.constant 32 : index
          %get3A_301 = tpu.vector_load %arg7[%get3A_299, %get3A_300] {strides = array<i32>} : memref<200x128xf32, #tpu.memory_space<vmem>>, vector<1x16xf32>,
          %get3A_302 = vector.shape_cast %get3A_301 : vector<1x16xf32> to vector<16xf32>
          %get3A_303 = arith.index_cast %add3A_258 : i32 to index
          %get3A_304 = arith.constant 48 : index
          %get3A_305 = tpu.vector_load %arg7[%get3A_303, %get3A_304] {strides = array<i32>} : memref<200x128xf32, #tpu.memory_space<vmem>>, vector<1x16xf32>,
          %get3A_306 = vector.shape_cast %get3A_305 : vector<1x16xf32> to vector<16xf32>
          %get3A_307 = arith.index_cast %add3A_258 : i32 to index
          %get3A_308 = arith.constant 64 : index
          %get3A_309 = tpu.vector_load %arg7[%get3A_307, %get3A_308] {strides = array<i32>} : memref<200x128xf32, #tpu.memory_space<vmem>>, vector<1x16xf32>,
          %get3A_310 = vector.shape_cast %get3A_309 : vector<1x16xf32> to vector<16xf32>
          %get3A_311 = arith.index_cast %add3A_258 : i32 to index
          %get3A_312 = arith.constant 80 : index
          %get3A_313 = tpu.vector_load %arg7[%get3A_311, %get3A_312] {strides = array<i32>} : memref<200x128xf32, #tpu.memory_space<vmem>>, vector<1x16xf32>,
          %get3A_314 = vector.shape_cast %get3A_313 : vector<1x16xf32> to vector<16xf32>
          %get3A_315 = arith.index_cast %add3A_258 : i32 to index
          %get3A_316 = arith.constant 96 : index
          %get3A_317 = tpu.vector_load %arg7[%get3A_315, %get3A_316] {strides = array<i32>} : memref<200x128xf32, #tpu.memory_space<vmem>>, vector<1x16xf32>,
          %get3A_318 = vector.shape_cast %get3A_317 : vector<1x16xf32> to vector<16xf32>
          %get3A_319 = arith.index_cast %add3A_258 : i32 to index
          %get3A_320 = arith.constant 112 : index
          %get3A_321 = tpu.vector_load %arg7[%get3A_319, %get3A_320] {strides = array<i32>} : memref<200x128xf32, #tpu.memory_space<vmem>>, vector<1x16xf32>,
          %get3A_322 = vector.shape_cast %get3A_321 : vector<1x16xf32> to vector<16xf32>
          %mul3A_323 = arith.constant 316.227753 : f32
          %mul3A_324 = vector.broadcast %mul3A_323 : f32 to vector<16xf32>
          %mul3A_325 = arith.mulf %get3A_262, %mul3A_324 : vector<16xf32>
          %add3A_326 = arith.addf %mul3A_325, %get3A_294 : vector<16xf32>
          %mul3A_327 = arith.constant 316.227753 : f32
          %mul3A_328 = vector.broadcast %mul3A_327 : f32 to vector<16xf32>
          %mul3A_329 = arith.mulf %get3A_266, %mul3A_328 : vector<16xf32>
          %add3A_330 = arith.addf %mul3A_329, %get3A_298 : vector<16xf32>
          %mul3A_331 = arith.constant 316.227753 : f32
          %mul3A_332 = vector.broadcast %mul3A_331 : f32 to vector<16xf32>
          %mul3A_333 = arith.mulf %get3A_270, %mul3A_332 : vector<16xf32>
          %add3A_334 = arith.addf %mul3A_333, %get3A_302 : vector<16xf32>
          %mul3A_335 = arith.constant 316.227753 : f32
          %mul3A_336 = vector.broadcast %mul3A_335 : f32 to vector<16xf32>
          %mul3A_337 = arith.mulf %get3A_274, %mul3A_336 : vector<16xf32>
          %add3A_338 = arith.addf %mul3A_337, %get3A_306 : vector<16xf32>
          %mul3A_339 = arith.constant 316.227753 : f32
          %mul3A_340 = vector.broadcast %mul3A_339 : f32 to vector<16xf32>
          %mul3A_341 = arith.mulf %get3A_278, %mul3A_340 : vector<16xf32>
          %add3A_342 = arith.addf %mul3A_341, %get3A_310 : vector<16xf32>
          %mul3A_343 = arith.constant 316.227753 : f32
          %mul3A_344 = vector.broadcast %mul3A_343 : f32 to vector<16xf32>
          %mul3A_345 = arith.mulf %get3A_282, %mul3A_344 : vector<16xf32>
          %add3A_346 = arith.addf %mul3A_345, %get3A_314 : vector<16xf32>
          %mul3A_347 = arith.constant 316.227753 : f32
          %mul3A_348 = vector.broadcast %mul3A_347 : f32 to vector<16xf32>
          %mul3A_349 = arith.mulf %get3A_286, %mul3A_348 : vector<16xf32>
          %add3A_350 = arith.addf %mul3A_349, %get3A_318 : vector<16xf32>
          %mul3A_351 = arith.constant 316.227753 : f32
          %mul3A_352 = vector.broadcast %mul3A_351 : f32 to vector<16xf32>
          %mul3A_353 = arith.mulf %get3A_290, %mul3A_352 : vector<16xf32>
          %add3A_354 = arith.addf %mul3A_353, %get3A_322 : vector<16xf32>
          %swap3A_355 = arith.index_cast %scan3A_257 : i32 to index
          %swap3A_356 = arith.constant 0 : index
          %swap3A_357 = tpu.vector_load %arg13[%swap3A_355, %swap3A_356] {strides = array<i32>} : memref<100x128xf32, #tpu.memory_space<vmem>>, vector<1x16xf32>,
          %swap3A_358 = vector.shape_cast %swap3A_357 : vector<1x16xf32> to vector<16xf32>
          %swap3A_359 = vector.shape_cast %add3A_326 : vector<16xf32> to vector<1x16xf32>
          tpu.vector_store %arg13[%swap3A_355, %swap3A_356], %swap3A_359 {strides = array<i32>} : memref<100x128xf32, #tpu.memory_space<vmem>>, vector<1x16xf32>,
          %swap3A_360 = arith.index_cast %scan3A_257 : i32 to index
          %swap3A_361 = arith.constant 16 : index
          %swap3A_362 = tpu.vector_load %arg13[%swap3A_360, %swap3A_361] {strides = array<i32>} : memref<100x128xf32, #tpu.memory_space<vmem>>, vector<1x16xf32>,
          %swap3A_363 = vector.shape_cast %swap3A_362 : vector<1x16xf32> to vector<16xf32>
          %swap3A_364 = vector.shape_cast %add3A_330 : vector<16xf32> to vector<1x16xf32>
          tpu.vector_store %arg13[%swap3A_360, %swap3A_361], %swap3A_364 {strides = array<i32>} : memref<100x128xf32, #tpu.memory_space<vmem>>, vector<1x16xf32>,
          %swap3A_365 = arith.index_cast %scan3A_257 : i32 to index
          %swap3A_366 = arith.constant 32 : index
          %swap3A_367 = tpu.vector_load %arg13[%swap3A_365, %swap3A_366] {strides = array<i32>} : memref<100x128xf32, #tpu.memory_space<vmem>>, vector<1x16xf32>,
          %swap3A_368 = vector.shape_cast %swap3A_367 : vector<1x16xf32> to vector<16xf32>
          %swap3A_369 = vector.shape_cast %add3A_334 : vector<16xf32> to vector<1x16xf32>
          tpu.vector_store %arg13[%swap3A_365, %swap3A_366], %swap3A_369 {strides = array<i32>} : memref<100x128xf32, #tpu.memory_space<vmem>>, vector<1x16xf32>,
          %swap3A_370 = arith.index_cast %scan3A_257 : i32 to index
          %swap3A_371 = arith.constant 48 : index
          %swap3A_372 = tpu.vector_load %arg13[%swap3A_370, %swap3A_371] {strides = array<i32>} : memref<100x128xf32, #tpu.memory_space<vmem>>, vector<1x16xf32>,
          %swap3A_373 = vector.shape_cast %swap3A_372 : vector<1x16xf32> to vector<16xf32>
          %swap3A_374 = vector.shape_cast %add3A_338 : vector<16xf32> to vector<1x16xf32>
          tpu.vector_store %arg13[%swap3A_370, %swap3A_371], %swap3A_374 {strides = array<i32>} : memref<100x128xf32, #tpu.memory_space<vmem>>, vector<1x16xf32>,
          %swap3A_375 = arith.index_cast %scan3A_257 : i32 to index
          %swap3A_376 = arith.constant 64 : index
          %swap3A_377 = tpu.vector_load %arg13[%swap3A_375, %swap3A_376] {strides = array<i32>} : memref<100x128xf32, #tpu.memory_space<vmem>>, vector<1x16xf32>,
          %swap3A_378 = vector.shape_cast %swap3A_377 : vector<1x16xf32> to vector<16xf32>
          %swap3A_379 = vector.shape_cast %add3A_342 : vector<16xf32> to vector<1x16xf32>
          tpu.vector_store %arg13[%swap3A_375, %swap3A_376], %swap3A_379 {strides = array<i32>} : memref<100x128xf32, #tpu.memory_space<vmem>>, vector<1x16xf32>,
          %swap3A_380 = arith.index_cast %scan3A_257 : i32 to index
          %swap3A_381 = arith.constant 80 : index
          %swap3A_382 = tpu.vector_load %arg13[%swap3A_380, %swap3A_381] {strides = array<i32>} : memref<100x128xf32, #tpu.memory_space<vmem>>, vector<1x16xf32>,
          %swap3A_383 = vector.shape_cast %swap3A_382 : vector<1x16xf32> to vector<16xf32>
          %swap3A_384 = vector.shape_cast %add3A_346 : vector<16xf32> to vector<1x16xf32>
          tpu.vector_store %arg13[%swap3A_380, %swap3A_381], %swap3A_384 {strides = array<i32>} : memref<100x128xf32, #tpu.memory_space<vmem>>, vector<1x16xf32>,
          %swap3A_385 = arith.index_cast %scan3A_257 : i32 to index
          %swap3A_386 = arith.constant 96 : index
          %swap3A_387 = tpu.vector_load %arg13[%swap3A_385, %swap3A_386] {strides = array<i32>} : memref<100x128xf32, #tpu.memory_space<vmem>>, vector<1x16xf32>,
          %swap3A_388 = vector.shape_cast %swap3A_387 : vector<1x16xf32> to vector<16xf32>
          %swap3A_389 = vector.shape_cast %add3A_350 : vector<16xf32> to vector<1x16xf32>
          tpu.vector_store %arg13[%swap3A_385, %swap3A_386], %swap3A_389 {strides = array<i32>} : memref<100x128xf32, #tpu.memory_space<vmem>>, vector<1x16xf32>,
          %swap3A_390 = arith.index_cast %scan3A_257 : i32 to index
          %swap3A_391 = arith.constant 112 : index
          %swap3A_392 = tpu.vector_load %arg13[%swap3A_390, %swap3A_391] {strides = array<i32>} : memref<100x128xf32, #tpu.memory_space<vmem>>, vector<1x16xf32>,
          %swap3A_393 = vector.shape_cast %swap3A_392 : vector<1x16xf32> to vector<16xf32>
          %swap3A_394 = vector.shape_cast %add3A_354 : vector<16xf32> to vector<1x16xf32>
          tpu.vector_store %arg13[%swap3A_390, %swap3A_391], %swap3A_394 {strides = array<i32>} : memref<100x128xf32, #tpu.memory_space<vmem>>, vector<1x16xf32>,
        }
        %scan3A_110 = arith.constant 100 : i32
        %add3A_111 = arith.addi %mul3A_2, %add3A_69 : i32
        %dma_start3A_112 = arith.constant 0 : i32
        %dma_start3A_113 = arith.constant 0 : i32
        %dma_start3A_114 = tpu.memref_slice %arg5[%add3A_111, %dma_start3A_112, %dma_start3A_113] : memref<2048x100x128xf32, #tpu.memory_space<hbm>> -> memref<1x100x128xf32, #tpu.memory_space<hbm>>
        %dma_start3A_115 = tpu.memref_squeeze %dma_start3A_114 : memref<1x100x128xf32, #tpu.memory_space<hbm>> -> memref<100x128xf32, #tpu.memory_space<hbm>>
        %dma_start3A_116 = arith.constant 0 : i32
        %dma_start3A_117 = arith.constant 0 : i32
        %dma_start3A_118 = tpu.memref_slice %arg5[%add3A_111, %dma_start3A_116, %dma_start3A_117] : memref<2048x100x128xf32, #tpu.memory_space<hbm>> -> memref<1x100x128xf32, #tpu.memory_space<hbm>>
        %dma_start3A_119 = tpu.memref_squeeze %dma_start3A_118 : memref<1x100x128xf32, #tpu.memory_space<hbm>> -> memref<100x128xf32, #tpu.memory_space<hbm>>
        tpu.enqueue_dma source(%arg13 : memref<100x128xf32, #tpu.memory_space<vmem>>) target(%dma_start3A_119 : memref<100x128xf32, #tpu.memory_space<hbm>>) target_semaphore(%arg19 : memref<!tpu.dma_semaphore, #tpu.memory_space<semaphore_mem>>)
      } else {
      }
    }
    %scan3A_20 = arith.constant 22 : i32
    %add3A_21 = arith.constant 61 : i32
    %add3A_22 = arith.addi %mul3A_2, %add3A_21 : i32
    %dma_wait3A = arith.constant 0 : i32
    %dma_wait3A_23 = arith.constant 0 : i32
    %dma_wait3A_24 = tpu.memref_slice %arg5[%add3A_22, %dma_wait3A, %dma_wait3A_23] : memref<2048x100x128xf32, #tpu.memory_space<hbm>> -> memref<1x100x128xf32, #tpu.memory_space<hbm>>
    %dma_wait3A_25 = tpu.memref_squeeze %dma_wait3A_24 : memref<1x100x128xf32, #tpu.memory_space<hbm>> -> memref<100x128xf32, #tpu.memory_space<hbm>>
    %dma_wait3A_26 = arith.constant 0 : i32
    %dma_wait3A_27 = arith.constant 0 : i32
    %dma_wait3A_28 = tpu.memref_slice %arg5[%add3A_22, %dma_wait3A_26, %dma_wait3A_27] : memref<2048x100x128xf32, #tpu.memory_space<hbm>> -> memref<1x100x128xf32, #tpu.memory_space<hbm>>
    %dma_wait3A_29 = tpu.memref_squeeze %dma_wait3A_28 : memref<1x100x128xf32, #tpu.memory_space<hbm>> -> memref<100x128xf32, #tpu.memory_space<hbm>>
    tpu.wait_dma2 semaphore(%arg18 : memref<!tpu.dma_semaphore, #tpu.memory_space<semaphore_mem>>) src(%arg12 : memref<100x128xf32, #tpu.memory_space<vmem>>) dst(%dma_wait3A_29 : memref<100x128xf32, #tpu.memory_space<hbm>>)
    %add3A_30 = arith.constant 62 : i32
    %add3A_31 = arith.addi %mul3A_2, %add3A_30 : i32
    %dma_wait3A_32 = arith.constant 0 : i32
    %dma_wait3A_33 = arith.constant 0 : i32
    %dma_wait3A_34 = tpu.memref_slice %arg5[%add3A_31, %dma_wait3A_32, %dma_wait3A_33] : memref<2048x100x128xf32, #tpu.memory_space<hbm>> -> memref<1x100x128xf32, #tpu.memory_space<hbm>>
    %dma_wait3A_35 = tpu.memref_squeeze %dma_wait3A_34 : memref<1x100x128xf32, #tpu.memory_space<hbm>> -> memref<100x128xf32, #tpu.memory_space<hbm>>
    %dma_wait3A_36 = arith.constant 0 : i32
    %dma_wait3A_37 = arith.constant 0 : i32
    %dma_wait3A_38 = tpu.memref_slice %arg5[%add3A_31, %dma_wait3A_36, %dma_wait3A_37] : memref<2048x100x128xf32, #tpu.memory_space<hbm>> -> memref<1x100x128xf32, #tpu.memory_space<hbm>>
    %dma_wait3A_39 = tpu.memref_squeeze %dma_wait3A_38 : memref<1x100x128xf32, #tpu.memory_space<hbm>> -> memref<100x128xf32, #tpu.memory_space<hbm>>
    tpu.wait_dma2 semaphore(%arg19 : memref<!tpu.dma_semaphore, #tpu.memory_space<semaphore_mem>>) src(%arg13 : memref<100x128xf32, #tpu.memory_space<vmem>>) dst(%dma_wait3A_39 : memref<100x128xf32, #tpu.memory_space<hbm>>)
    %add3A_40 = arith.constant 63 : i32
    %add3A_41 = arith.addi %mul3A_2, %add3A_40 : i32
    %dma_wait3A_42 = arith.constant 0 : i32
    %dma_wait3A_43 = arith.constant 0 : i32
    %dma_wait3A_44 = tpu.memref_slice %arg5[%add3A_41, %dma_wait3A_42, %dma_wait3A_43] : memref<2048x100x128xf32, #tpu.memory_space<hbm>> -> memref<1x100x128xf32, #tpu.memory_space<hbm>>
    %dma_wait3A_45 = tpu.memref_squeeze %dma_wait3A_44 : memref<1x100x128xf32, #tpu.memory_space<hbm>> -> memref<100x128xf32, #tpu.memory_space<hbm>>
    %dma_wait3A_46 = arith.constant 0 : i32
    %dma_wait3A_47 = arith.constant 0 : i32
    %dma_wait3A_48 = tpu.memref_slice %arg5[%add3A_41, %dma_wait3A_46, %dma_wait3A_47] : memref<2048x100x128xf32, #tpu.memory_space<hbm>> -> memref<1x100x128xf32, #tpu.memory_space<hbm>>
    %dma_wait3A_49 = tpu.memref_squeeze %dma_wait3A_48 : memref<1x100x128xf32, #tpu.memory_space<hbm>> -> memref<100x128xf32, #tpu.memory_space<hbm>>
    tpu.wait_dma2 semaphore(%arg17 : memref<!tpu.dma_semaphore, #tpu.memory_space<semaphore_mem>>) src(%arg11 : memref<100x128xf32, #tpu.memory_space<vmem>>) dst(%dma_wait3A_49 : memref<100x128xf32, #tpu.memory_space<hbm>>)
    return
  }
}

</mosaic_0001>

<sc_bundles>
// kernel: _sc_embed.3.cloned.1.call-start
scs
__scs_entry_jumppad:
0x0: {  	(pc) =	sbr.rel $0x88, $3  }
0x1: {  	(tag) =	ssettag $0x0;
	lr =	simm.s32 $0x1  }
0x2: {  	[smem:$0x3F9E] =	sst lr;
	_ =	strace $0xD0000000  }
0x3: {  	_ = 	snop  }
0x4: {  	_ = 	snop  }
0x5: {  	_ = 	snop  }
0x6: {  	_ = 	snop  }
0x7: {  	_ = 	snop  }
__scs_overlays_trampoline_lowered:
0x8: {  	[smem:$0x3FAD] =	sst s0  }
0x9: {  	[smem:$0x3FAE] =	sst s1  }
0xa: {  	[smem:$0x3FAF] =	sst s2  }
0xb: {  	[smem:$0x3FB0] =	sst s3  }
0xc: {  	[smem:$0x3FB1] =	sst s4  }
0xd: {  	[smem:$0x3FB2] =	sst s5  }
0xe: {  	[smem:$0x3FB3] =	sst s6  }
0xf: {  	[smem:$0x3FB4] =	sst s7  }
0x10: {  	[smem:$0x3FB5] =	sst s8  }
0x11: {  	[smem:$0x3FB6] =	sst s9;
	s0 =	simm.s32 @!p0 $0x0  }
0x12: {  	s1 =	sld [smem:$0x3F9C];
	s0 =	simm.s32 @p0 $0x1  }
0x13: {  	[smem:$0x3FB7] =	sst s0;
	s0 =	simm.s32 @!p1 $0x0  }
0x14: {  	s2 =	sld [smem:$0x3F9B];
	s0 =	simm.s32 @p1 $0x1  }
0x15: {  	[smem:$0x3FB8] =	sst s0;
	s0 =	simm.s32 @!p2 $0x0  }
0x16: {  	s3 =	sld [smem:$0x3FDB];
	s0 =	simm.s32 @p2 $0x1  }
0x17: {  	s4 =	simm.s32 $0x1BF5;
	[smem:$0x3FBA] =	sst s0  }
0x18: {  	s0 =	sld [smem:$0x3F9D];
	_ =	swait.ge [sflag:s4], $0x0  }
0x19: {  	s7 =	sld [smem:$0x3F9E]  }
0x1a: {  	s8 =	sadd.s32 $0xFFFFE003, lr  }
0x1b: {  	s9 =	sadd.s32 $0xFFFFFEF7, lr;
	s5 =	simm.s32 $0xFFFFFFFF;
	p2 =	slt.u32 s8, $0xFFFFF086  }
0x1c: {  	p1 =	slt.u32 s9, $0xF7A;
	s5 =	simm.s32 @!p2 $0x0  }
0x1d: {  	s5 =	simm.s32 @p1 $0x1;
	p0 =	seq.s32 s7, s2  }
0x1e: {  	s7 =	smul.u32 @!p0 $0xF7A, s2;
	p2 =	seq.s32 @!p0 s5, $0x0  }
0x1f: {  	s9 =	smul.u32 $0xF7A, s1;
	s8 =	simm.s32 @!p0 $0x1BF5;
	p2 =	por !p2, p0  }
0x20: {  	[sflag:s8] =	ssyncset.s32 @!p0 $0xFFFFF086;
	s6 =	sadd.s32 @!p0 s3, s7;
	s7 =	simm.s32 @!p0 $0x108  }
0x21: {  	s3 =	sadd.s32 s3, s9;
	s6 =	sadd.s32 @!p0 $0x88, s6;
	s7 =	simm.s32 @p2 $0x1082  }
0x22: {  	[simem:s7], [sflag:s8] =	dma.local @!p0 [hbm:s6], $0xF7A  }
0x23: {  	s9 =	sor.u32 $0xD0000000, s2;
	s6 =	simm.s32 $0x108;
	_ =	swait.ge @!p0 [sflag:s8], $0x0  }
0x24: {  	s3 =	sadd.s32 $0x88, s3;
	s6 =	simm.s32 @!p1 $0x1082;
	[sflag:s4] =	ssyncset.s32 $0xFFFFF086  }
0x25: {  	[simem:s6], [sflag:s4] =	dma.local [hbm:s3], $0xF7A  }
0x26: {  	[smem:$0x3F9E] =	sst s1;
	(tag) =	ssettag s2;
	_ =	strace s9  }
0x27: {  	s1 =	sld [smem:$0x3FAE]  }
0x28: {  	s2 =	sld [smem:$0x3FAF]  }
0x29: {  	s4 =	sld [smem:$0x3FB1]  }
0x2a: {  	p0 =	seq.s32 s5, $0x0;
	s5 =	sld [smem:$0x3FB2]  }
0x2b: {  	s6 =	sld [smem:$0x3FB3]  }
0x2c: {  	s7 =	sld [smem:$0x3FB4]  }
0x2d: {  	s3 =	simm.s32 $0x108;
	s8 =	sld [smem:$0x3FB5]  }
0x2e: {  	s3 =	simm.s32 @!p0 $0x1082;
	s9 =	sld [smem:$0x3FB6]  }
0x2f: {  	lr =	sadd.s32 s0, s3;
	s0 =	sld [smem:$0x3FAD]  }
0x30: {  	s3 =	sld [smem:$0x3FB0]  }
0x31: {  	[smem:$0x3FB9] =	sst s10  }
0x32: {  	s10 =	sld [smem:$0x3FB7];
	_ =	sdelay $0x3  }
0x33: {  	p0 =	seq.s32 s10, $0x1;
	s10 =	sld [smem:$0x3FB9];
	_ =	sdelay $0x3  }
0x34: {  	[smem:$0x3FB9] =	sst s10  }
0x35: {  	s10 =	sld [smem:$0x3FB8];
	_ =	sdelay $0x3  }
0x36: {  	p1 =	seq.s32 s10, $0x1;
	s10 =	sld [smem:$0x3FB9];
	_ =	sdelay $0x3  }
0x37: {  	[smem:$0x3FB9] =	sst s10  }
0x38: {  	s10 =	sld [smem:$0x3FBA]  }
0x39: {  	_ = 	snop;
	(pc) =	sbr.ind lr, $3  }
0x3a: {  	_ = 	snop  }
0x3b: {  	_ = 	snop  }
0x3c: {  	p2 =	seq.s32 s10, $0x1;
	s10 =	sld [smem:$0x3FB9]  }
0x3d: {  	_ =	shalt  }
0x3e: {  	_ =	shalt  }
0x3f: {  	_ =	shalt  }
0x40: {  	_ =	shalt  }
0x41: {  	_ =	shalt  }
0x42: {  	_ =	shalt  }
0x43: {  	_ =	shalt  }
0x44: {  	_ =	shalt  }
0x45: {  	_ =	shalt  }
0x46: {  	_ =	shalt  }
0x47: {  	_ =	shalt  }
0x48: {  	_ =	shalt  }
0x49: {  	_ =	shalt  }
0x4a: {  	_ =	shalt  }
0x4b: {  	_ =	shalt  }
0x4c: {  	_ =	shalt  }
0x4d: {  	_ =	shalt  }
0x4e: {  	_ =	shalt  }
0x4f: {  	_ =	shalt  }
0x50: {  	_ =	shalt  }
0x51: {  	_ =	shalt  }
0x52: {  	_ =	shalt  }
0x53: {  	_ =	shalt  }
0x54: {  	_ =	shalt  }
0x55: {  	_ =	shalt  }
0x56: {  	_ =	shalt  }
0x57: {  	_ =	shalt  }
0x58: {  	_ =	shalt  }
0x59: {  	_ =	shalt  }
0x5a: {  	_ =	shalt  }
0x5b: {  	_ =	shalt  }
0x5c: {  	_ =	shalt  }
0x5d: {  	_ =	shalt  }
0x5e: {  	_ =	shalt  }
0x5f: {  	_ =	shalt  }
0x60: {  	_ =	shalt  }
0x61: {  	_ =	shalt  }
0x62: {  	_ =	shalt  }
0x63: {  	_ =	shalt  }
0x64: {  	_ =	shalt  }
0x65: {  	_ =	shalt  }
0x66: {  	_ =	shalt  }
0x67: {  	_ =	shalt  }
0x68: {  	_ =	shalt  }
0x69: {  	_ =	shalt  }
0x6a: {  	_ =	shalt  }
0x6b: {  	_ =	shalt  }
0x6c: {  	_ =	shalt  }
0x6d: {  	_ =	shalt  }
0x6e: {  	_ =	shalt  }
0x6f: {  	_ =	shalt  }
0x70: {  	_ =	shalt  }
0x71: {  	_ =	shalt  }
0x72: {  	_ =	shalt  }
0x73: {  	_ =	shalt  }
0x74: {  	_ =	shalt  }
0x75: {  	_ =	shalt  }
0x76: {  	_ =	shalt  }
0x77: {  	_ =	shalt  }
0x78: {  	_ =	shalt  }
0x79: {  	_ =	shalt  }
0x7a: {  	_ =	shalt  }
0x7b: {  	_ =	shalt  }
0x7c: {  	_ =	shalt  }
0x7d: {  	_ =	shalt  }
0x7e: {  	_ =	shalt  }
0x7f: {  	_ =	shalt  }
0x80: {  	_ =	shalt  }
0x81: {  	_ =	shalt  }
0x82: {  	_ =	shalt  }
0x83: {  	_ =	shalt  }
0x84: {  	_ =	shalt  }
0x85: {  	_ =	shalt  }
0x86: {  	_ =	shalt  }
0x87: {  	_ =	shalt  }
.Lfunc_end0:
.L_simem_size_0:
called_computation_lowered:
.L_overlay_start_0:
0x88: {  	s2 =	sld [smem:$0x3FD9]  }
0x89: {  	s3 =	sld [smem:$0x3FFE];
	_ =	sdelay $0x1  }
0x8a: {  	s1 =	srdreg.scid  }
0x8b: {  	s0 =	sand.u32 $0x1, s1  }
0x8c: {  	s17 =	sshll.u32 s0, $0xA;
	s2 =	sadd.s32 s3, s2  }
0x8d: {  	s2 =	sadd.s32 s2, s17  }
0x8e: {  	[smem:$0x3FC5] =	sst s2  }
0x8f: {  	_ = 	snop  }
0x90: {  	s2 =	sld [smem:$0x3FC8]  }
0x91: {  	s18 =	sld [smem:$0x3FC7]  }
0x92: {  	s4 =	sld [smem:$0x3FD0];
	(tm) =	ssettm $0x1  }
0x93: {  	s5 =	sld [smem:$0x3FFB];
	_ =	sdelay $0x3  }
0x94: {  	_ =	strace s5  }
0x95: {  	s5 =	sld [smem:$0x3FFC];
	_ =	sdelay $0x3  }
0x96: {  	_ =	strace s5  }
0x97: {  	s5 =	sld [smem:$0x3FFD];
	_ =	sdelay $0x3  }
0x98: {  	_ =	strace s5  }
0x99: {  	_ =	strace $0x8FFFFFFF  }
0x9a: {  	s19 =	sld [smem:$0x3FDB];
	_ =	sdelay $0x1  }
0x9b: {  	s6 =	simm.s32 $_scs_section_size  }
0x9c: {  	s7 =	simm.s32 $_size__tile_overlayer_lowered;
	s8 =	simm.s32 $_tile_overlayer_lowered  }
0x9d: {  	s22 =	simm.s32 $0x1BFF;
	s21 =	sshll.u32 s8, $0x1;
	s5 =	sadd.s32 s6, s19  }
0x9e: {  	s9 =	simm.s32 $0x0;
	s20 =	sshll.u32 s7, $0x1;
	s7 =	sadd.s32 s21, s5  }
0x9f: {  	[timem:s9], [sflag:s22] =	dma.local [hbm:s7], s20  }
0xa0: {  	_ =	swait.ge [sflag:s22], s20  }
0xa1: {  	s6 =	ssub.s32 $0x0, s20;
	[sflag:s22] =	ssyncset.done $0x0  }
0xa2: {  	[sflag:s22] =	ssyncadd.s32 s6;
	_ =	sdelay $0x1  }
0xa3: {  	s23 =	simm.s32 $0x1B8B  }
0xa4: {  	_ =	swait.ge [sflag:s23], $0x1  }
0xa5: {  	[sflag:s23] =	ssyncset.done $0x0  }
0xa6: {  	s25 =	simm.s32 $0x1B8E;
	s24 =	sld [smem:$0x3FFE];
	[sflag:s23] =	ssyncadd.s32 $0xFFFFFFFF  }
0xa7: {  	s26 =	simm.s32 $execute0_lowered;
	[smem:$0x3FD2] =	sst s25  }
0xa8: {  	s7 =	sshll.u32 s26, $0x1;
	_ =	strace $0x80000046;
	[dreg:$0x1] =	wrdreg $0xFFFFFFFF  }
0xa9: {  	s28 =	simm.s32 $_size_execute0_lowered;
	s5 =	sadd.s32 s5, s7;
	[dreg:$0x0] =	wrdreg $0x0  }
0xaa: {  	s7 =	sshll.u32 s28, $0x1;
	[dreg:$0x2] =	wrdreg s5  }
0xab: {  	[dreg:$0x3] =	wrdreg s7  }
0xac: {  	[dreg:$0x4] =	wrdreg $0xC0  }
0xad: {  	_ =	task [dreg:s9], $0x5FFFF  }
0xae: {  	[dreg:$0x1] =	wrdreg $0xFFFFFFFF  }
0xaf: {  	[dreg:$0x0] =	wrdreg $0x60  }
0xb0: {  	[dreg:$0x2] =	wrdreg s4  }
0xb1: {  	[dreg:$0x3] =	wrdreg s2  }
0xb2: {  	[dreg:$0x4] =	wrdreg s18  }
0xb3: {  	[dreg:$0x5] =	wrdreg s24  }
0xb4: {  	[dreg:$0x6] =	wrdreg $0x9  }
0xb5: {  	_ =	task.clear_ibuf [dreg:s9], $0x7FFFF;
	_ =	strace $0x90000046  }
0xb6: {  	s29 =	simm.s32 $0x9;
	_ =	strace $0x80000048  }
0xb7: {  	_ =	swait.ge [sflag:s29], $0x1  }
0xb8: {  	[sflag:s29] =	ssyncadd.s32 $0xFFFFFFFF  }
0xb9: {  	_ =	strace $0x90000048  }
0xba: {  	_ =	sfence  }
0xbb: {  	s30 =	sld [smem:$0x0];
	_ =	sdelay $0x2  }
0xbc: {  	s31 =	sshll.u32 s1, $0xD;
	s1 =	sshrl.u32 s1, $0x2  }
0xbd: {  	s3 =	sand.u32 $0x4000, s31;
	s1 =	sadd.s32 s1, s30  }
0xbe: {  	s0 =	sor.u32 s3, s0;
	s1 =	sshll.u32 s1, $0x11  }
0xbf: {  	s0 =	sor.u32 s1, s0  }
0xc0: {  	s0 =	sadd.s32 $0x8F2B, s0  }
0xc1: {  	[sflag:s0] =	ssyncadd.remote.s32 $0x1  }
0xc2: {  	_ =	sfence.sel $0xFFFF  }
0xc3: {  	[dreg:$0x0] =	wrdreg $0xFFFFFFFF;
	(pc) =	sbr.abs _section_cstart, $3  }
0xc4: {  	[dreg:$0x1] =	wrdreg $0xFFFFFFFF  }
0xc5: {  	_ =	task.clear_ibuf [dreg:s9], $0x2FFFF;
	_ =	strace $0x9FFFFFFF  }
0xc6: {  	(tm) =	ssettm $0x7FFFFFFF  }
0xc7: {  	_ =	shalt  }
tec
execute0_lowered:
.L_overlay_start_1:
0x0: {  	(tag) =	ssettag $0x1  }
0x1: {  	s0 =	rddreg [dreg:$0x0]  }
0x2: {  	s1 =	rddreg [dreg:$0x1]  }
0x3: {  	s2 =	rddreg [dreg:$0x3]  }
0x4: {  	s3 =	srdreg.scid;
	s5 =	stileid.u32  }
0x5: {  	s4 =	simm.s32 $0x0;
	s10 =	simm.s32 $0x7;
	s12 =	simm.s32 $0x64  }
0x6: {  	s13 =	simm.s32 $0x8400;
	s16 =	simm.s32 $0x1;
	s17 =	simm.s32 $0x12000  }
0x7: {  	s18 =	simm.s32 $0x5;
	s19 =	simm.s32 $0x6;
	s20 =	simm.s32 $0x4  }
0x8: {  	s21 =	simm.s32 $0x2;
	s22 =	simm.s32 $0x15400;
	s23 =	simm.s32 $0x3  }
0x9: {  	s24 =	simm.s32 $0x18800;
	s25 =	simm.s32 $0x0;
	s3 =	sand.u32 $0x1, s3  }
.Ltmp0:
0xa: {  	s5 =	sshll.u32 s5, $0x7;
	s6 =	sshll.u32 s3, $0x6;
	(pc) =	sbr.rel .LBB2_1-.Ltmp0, $4  }
0xb: {  	[smem:$0x7FF] =	sst s4;
	s3 =	ssub.s32 $0x2, s3;
	s5 =	sor.u32 s6, s5  }
0xc: {  	_ =	strace $0x80000047;
	s7 =	sshrl.u32 s3, $0x1;
	s8 =	sshll.u32 s5, $0x4  }
0xd: {  	s6 =	sadd.s32 $0x400, s2;
	s31 =	ssub.s32 s3, s7;
	s0 =	sadd.s32 s0, s8  }
0xe: {  	s8 =	sor.u32 $0x2, s5;
	s9 =	smax.u32 s31, $0x1;
	[dreg:$0x5] =	wrdreg s0  }
.LBB2_10:
0xf: {  	_ =	swait.ge [sflag:s18], $0x3200  }
0x10: {  	[sflag:s18] =	ssyncset.done $0x0  }
0x11: {  	s25 =	sadd.s32 $0x1, s25;
	[sflag:s18] =	ssyncadd.s32 $0xFFFFCE00  }
0x12: {  	p0 =	sne.s32 s25, s9;
	_ =	swait.ge [sflag:s19], $0x3200  }
.Ltmp1:
0x13: {  	[sflag:s19] =	ssyncset.done $0x0;
	(pc) =	sbr.rel @!p0 .LBB2_11-.Ltmp1, $4  }
0x14: {  	[sflag:s19] =	ssyncadd.s32 $0xFFFFCE00  }
0x15: {  	_ =	swait.ge [sflag:s20], $0x3200  }
0x16: {  	[sflag:s20] =	ssyncset.done $0x0  }
0x17: {  	[sflag:s20] =	ssyncadd.s32 $0xFFFFCE00  }
.LBB2_1:
0x18: {  	s0 =	rddreg [dreg:$0x5]  }
0x19: {  	[tilespmem:s4], [sflag:$0x7] =	stream.linear.gather [hbm4b:s0+s4], $0x2000, $0x38;
	[tilespmem:$0x1BC00] =	vst v63  }
0x1a: {  	_ =	swait.ge [sflag:s10], $0x2000  }
0x1b: {  	[sflag:s10] =	ssyncset.done $0x0  }
0x1c: {  	[sflag:s10] =	ssyncadd.s32 $0xFFFFE000  }
0x1d: {  	s2 =	simm.s32 $0x2000;
	s29 =	rddreg [dreg:$0x2]  }
0x1e: {  	[tilespmem:s2], [sflag:$0x7] =	stream.linear.gather [hbm4b:s29+s4], $0x6400, $0x38;
	[tilespmem:$0x1BC00] =	vst v63  }
0x1f: {  	_ =	swait.ge [sflag:s10], $0x6400  }
0x20: {  	[sflag:s10] =	ssyncset.done $0x0  }
0x21: {  	[sflag:s10] =	ssyncadd.s32 $0xFFFF9C00  }
0x22: {  	[tilespmem:s13], [sflag:$0x1] =	stream.indirect.gather [hbm4b:s1+s12], $0x80, s4, s12, $0xb8;
	[tilespmem:$0x1BC00] =	vst v63  }
0x23: {  	s30 =	simm.s32 $0x80;
	s31 =	simm.s32 $0xB800;
	s26 =	simm.s32 $0x0  }
0x24: {  	[tilespmem:s31], [sflag:$0x2] =	stream.indirect.gather [hbm4b:s1+s12], $0x80, s30, s12, $0xb8;
	[tilespmem:$0x1BC00] =	vst v63  }
.LBB2_2:
0x25: {  	p0 =	seq.s32 s26, $0x15  }
0x26: {  	_ =	swait.ge [sflag:s16], $0x3200;
	s0 =	smul.u32 @!p0 $0x600, s26  }
0x27: {  	[sflag:s16] =	ssyncset.done $0x0;
	s2 =	simm.s32 @!p0 $0x64  }
0x28: {  	s3 =	simm.s32 @!p0 $0xEC00;
	p1 =	seq.s32 @!p0 s26, $0x0;
	s0 =	sshra.s32 @!p0 s0, $0x2  }
0x29: {  	[sflag:s16] =	ssyncadd.s32 $0xFFFFCE00;
	p1 =	por p0, !p1;
	s0 =	sadd.s32 @!p0 $0x100, s0  }
0x2a: {  	[tilespmem:s3], [sflag:$0x3] =	stream.indirect.gather @!p0 [hbm4b:s1+s2], $0x80, s0, s2, $0xb8;
	[tilespmem:$0x1BC00] =	vst v63  }
0x2b: {  	_ =	swait.ge @p1 [sflag:s20], $0x3200  }
0x2c: {  	[sflag:s20] =	ssyncset.done @p1 $0x0  }
0x2d: {  	s0 =	simm.s32 $0x8480;
	[sflag:s20] =	ssyncadd.s32 @p1 $0xFFFFCE00  }
0x2e: {  	v2 =	vld [tilespmem:s0+$0xFFFFFFE0]  }
0x2f: {  	v3 =	vld [tilespmem:s0+$0xFFFFFFD0]  }
0x30: {  	s28 =	smul.u32 $0x3, s26;
	v6 =	vld [tilespmem:s0+$0xFFFFFF90]  }
0x31: {  	v7 =	vld [tilespmem:s0+$0xFFFFFFB0]  }
0x32: {  	s31 =	sand.u32 $0x1, s28;
	v8 =	vld [tilespmem:s0+$0xFFFFFFA0]  }
0x33: {  	s29 =	simm.s32 $0x5280;
	p1 =	seq.s32 s31, $0x1;
	v11 =	vld [tilespmem:s0+$0xFFFFFFC0]  }
0x34: {  	s29 =	simm.s32 @!p1 $0x2080;
	v13 =	vld [tilespmem:s0+$0xFFFFFF80]  }
0x35: {  	v0 =	vld [tilespmem:s29+$0xFFFFFFA0]  }
0x36: {  	v5 =	vld [tilespmem:s29+$0xFFFFFFB0]  }
0x37: {  	v1 =	vld [tilespmem:s29+$0xFFFFFFD0]  }
0x38: {  	v10 =	vld [tilespmem:s29+$0xFFFFFFE0]  }
0x39: {  	v4 =	vld [tilespmem:s29+$0xFFFFFF90];
	v7 =	vmul.f32 $3.162277530e+02, v7  }
0x3a: {  	v12 =	vld [tilespmem:s29+$0xFFFFFFC0];
	v8 =	vmul.f32 $3.162277530e+02, v8  }
0x3b: {  	v2 =	vmul.f32 $3.162277530e+02, v2;
	v5 =	vadd.f32 v5, v7;
	v7 =	vld [tilespmem:s0+$0xFFFFFFF0]  }
0x3c: {  	s3 =	simm.s32 $0x12080;
	v62 =	vld [tilespmem:s29+$0xFFFFFF80];
	v6 =	vmul.f32 $3.162277530e+02, v6;
	v0 =	vadd.f32 v0, v8  }
0x3d: {  	v9 =	vld [tilespmem:s29+$0xFFFFFFF0];
	v3 =	vmul.f32 $3.162277530e+02, v3;
	v2 =	vadd.f32 v10, v2;
	[tilespmem:s3+$0xFFFFFFB0] =	vst v5  }
0x3e: {  	v63 =	vmul.f32 $3.162277530e+02, v11;
	v4 =	vadd.f32 v4, v6;
	[tilespmem:s3+$0xFFFFFFA0] =	vst v0  }
0x3f: {  	v1 =	vadd.f32 v1, v3;
	v0 =	vmul.f32 $3.162277530e+02, v13;
	[tilespmem:s3+$0xFFFFFFE0] =	vst v2  }
0x40: {  	v5 =	vadd.f32 v12, v63;
	[tilespmem:s3+$0xFFFFFF90] =	vst v4;
	v2 =	vmul.f32 $3.162277530e+02, v7  }
0x41: {  	[tilespmem:s3+$0xFFFFFFD0] =	vst v1;
	v0 =	vadd.f32 v62, v0  }
0x42: {  	[tilespmem:s3+$0xFFFFFFC0] =	vst v5;
	v2 =	vadd.f32 v9, v2  }
0x43: {  	[tilespmem:s3+$0xFFFFFF80] =	vst v0  }
0x44: {  	[tilespmem:s3+$0xFFFFFFF0] =	vst v2  }
0x45: {  	v1 =	vld [tilespmem:s0+$0x0]  }
0x46: {  	v4 =	vld [tilespmem:s0+$0x10]  }
0x47: {  	v0 =	vld [tilespmem:s29+$0x60]  }
0x48: {  	s30 =	simm.s32 $0x0;
	s14 =	simm.s32 $0x8580;
	v3 =	vld [tilespmem:s0+$0x30]  }
0x49: {  	s2 =	simm.s32 $0x12080;
	s11 =	smov.u32 s29;
	s15 =	smov.u32 s29;
	v2 =	vld [tilespmem:s0+$0x50]  }
.LBB2_3:
0x4a: {  	s30 =	sadd.s32 $0x2, s30;
	v5 =	vld [tilespmem:s11+$0x0];
	s15 =	sadd.s32 $0x100, s15;
	s3 =	sadd.s32 $0x100, s3  }
0x4b: {  	p1 =	slt.u32 s30, $0x62;
	v6 =	vld [tilespmem:s0+$0x70];
	v4 =	vmul.f32 $3.162277530e+02, v4  }
0x4c: {  	v7 =	vld [tilespmem:s11+$0x50]  }
0x4d: {  	v8 =	vld [tilespmem:s11+$0x10];
	v3 =	vmul.f32 $3.162277530e+02, v3  }
0x4e: {  	v9 =	vld [tilespmem:s11+$0x30]  }
0x4f: {  	v2 =	vmul.f32 $3.162277530e+02, v2;
	v10 =	vld [tilespmem:s11+$0x70]  }
0x50: {  	v11 =	vld [tilespmem:s0+$0x40]  }
0x51: {  	v1 =	vmul.f32 $3.162277530e+02, v1;
	v12 =	vld [tilespmem:s11+$0x20];
	v2 =	vadd.f32 v7, v2  }
0x52: {  	v6 =	vmul.f32 $3.162277530e+02, v6;
	v7 =	vld [tilespmem:s11+$0x40];
	v4 =	vadd.f32 v8, v4;
	s11 =	smov.u32 s15  }
0x53: {  	v1 =	vadd.f32 v5, v1;
	v8 =	vld [tilespmem:s0+$0x60];
	v3 =	vadd.f32 v9, v3  }
0x54: {  	v5 =	vld [tilespmem:s0+$0x20];
	v6 =	vadd.f32 v10, v6;
	s0 =	smov.u32 s14  }
0x55: {  	v9 =	vmul.f32 $3.162277530e+02, v11;
	[tilespmem:s2+$0x0] =	vst v1  }
0x56: {  	[tilespmem:s2+$0x70] =	vst v6  }
0x57: {  	v1 =	vadd.f32 v7, v9;
	[tilespmem:s2+$0x10] =	vst v4  }
0x58: {  	v4 =	vmul.f32 $3.162277530e+02, v8;
	[tilespmem:s2+$0x30] =	vst v3  }
0x59: {  	v3 =	vmul.f32 $3.162277530e+02, v5;
	[tilespmem:s2+$0x40] =	vst v1  }
0x5a: {  	v0 =	vadd.f32 v0, v4;
	[tilespmem:s2+$0x50] =	vst v2  }
0x5b: {  	v1 =	vadd.f32 v12, v3  }
0x5c: {  	[tilespmem:s2+$0x60] =	vst v0  }
0x5d: {  	[tilespmem:s2+$0x20] =	vst v1;
	s2 =	smov.u32 s3  }
0x5e: {  	v0 =	vld [tilespmem:s15+$0xFFFFFFA0]  }
0x5f: {  	v1 =	vld [tilespmem:s15+$0xFFFFFFD0]  }
0x60: {  	v2 =	vld [tilespmem:s14+$0xFFFFFFE0]  }
0x61: {  	v3 =	vld [tilespmem:s14+$0xFFFFFFD0]  }
0x62: {  	v4 =	vld [tilespmem:s15+$0xFFFFFF90]  }
0x63: {  	v5 =	vld [tilespmem:s15+$0xFFFFFFB0]  }
0x64: {  	v6 =	vld [tilespmem:s14+$0xFFFFFF90]  }
0x65: {  	v7 =	vld [tilespmem:s14+$0xFFFFFFB0]  }
0x66: {  	v8 =	vld [tilespmem:s14+$0xFFFFFFA0]  }
0x67: {  	v9 =	vld [tilespmem:s15+$0xFFFFFFF0]  }
0x68: {  	v10 =	vld [tilespmem:s15+$0xFFFFFFE0]  }
0x69: {  	v3 =	vmul.f32 $3.162277530e+02, v3;
	v11 =	vld [tilespmem:s14+$0xFFFFFFC0]  }
0x6a: {  	v2 =	vmul.f32 $3.162277530e+02, v2;
	v12 =	vld [tilespmem:s15+$0xFFFFFFC0];
	v7 =	vmul.f32 $3.162277530e+02, v7  }
0x6b: {  	v1 =	vadd.f32 v1, v3;
	v13 =	vld [tilespmem:s14+$0xFFFFFF80];
	v8 =	vmul.f32 $3.162277530e+02, v8  }
0x6c: {  	v3 =	vld [tilespmem:s14+$0xFFFFFFF0];
	v5 =	vadd.f32 v5, v7  }
0x6d: {  	v6 =	vmul.f32 $3.162277530e+02, v6;
	v7 =	vld [tilespmem:s15+$0xFFFFFF80];
	v0 =	vadd.f32 v0, v8;
	v2 =	vadd.f32 v10, v2  }
0x6e: {  	v8 =	vmul.f32 $3.162277530e+02, v11;
	[tilespmem:s3+$0xFFFFFFB0] =	vst v5  }
0x6f: {  	v4 =	vadd.f32 v4, v6;
	[tilespmem:s3+$0xFFFFFFA0] =	vst v0  }
0x70: {  	v0 =	vmul.f32 $3.162277530e+02, v13;
	v5 =	vadd.f32 v12, v8;
	[tilespmem:s3+$0xFFFFFFE0] =	vst v2  }
0x71: {  	v2 =	vmul.f32 $3.162277530e+02, v3;
	[tilespmem:s3+$0xFFFFFF90] =	vst v4  }
0x72: {  	v0 =	vadd.f32 v7, v0;
	[tilespmem:s3+$0xFFFFFFC0] =	vst v5  }
0x73: {  	v2 =	vadd.f32 v9, v2;
	[tilespmem:s3+$0xFFFFFFD0] =	vst v1  }
0x74: {  	[tilespmem:s3+$0xFFFFFF80] =	vst v0  }
0x75: {  	[tilespmem:s3+$0xFFFFFFF0] =	vst v2  }
.Ltmp2:
0x76: {  	v1 =	vld [tilespmem:s14+$0x0];
	(pc) =	sbr.rel @p1 .LBB2_3-.Ltmp2, $4  }
0x77: {  	v4 =	vld [tilespmem:s14+$0x10]  }
0x78: {  	v0 =	vld [tilespmem:s15+$0x60]  }
0x79: {  	v3 =	vld [tilespmem:s14+$0x30]  }
0x7a: {  	s14 =	sadd.s32 $0x100, s14;
	v2 =	vld [tilespmem:s0+$0x50]  }
0x7b: {  	v5 =	vld [tilespmem:s11+$0x0]  }
0x7c: {  	v6 =	vld [tilespmem:s0+$0x70]  }
0x7d: {  	v7 =	vld [tilespmem:s11+$0x50]  }
0x7e: {  	v8 =	vld [tilespmem:s11+$0x10]  }
0x7f: {  	v9 =	vld [tilespmem:s11+$0x30]  }
0x80: {  	v10 =	vld [tilespmem:s11+$0x70]  }
0x81: {  	v11 =	vld [tilespmem:s0+$0x40]  }
0x82: {  	v1 =	vmul.f32 $3.162277530e+02, v1;
	v12 =	vld [tilespmem:s11+$0x40]  }
0x83: {  	v13 =	vld [tilespmem:s0+$0x60];
	v4 =	vmul.f32 $3.162277530e+02, v4  }
0x84: {  	v55 =	vld [tilespmem:s0+$0x20];
	v3 =	vmul.f32 $3.162277530e+02, v3;
	v1 =	vadd.f32 v5, v1  }
0x85: {  	v6 =	vmul.f32 $3.162277530e+02, v6;
	v4 =	vadd.f32 v8, v4  }
0x86: {  	v56 =	vld [tilespmem:s11+$0x20];
	v57 =	vmul.f32 $3.162277530e+02, v11;
	v59 =	vadd.f32 v9, v3;
	[tilespmem:s2+$0x0] =	vst v1  }
0x87: {  	v58 =	vmul.f32 $3.162277530e+02, v2;
	v6 =	vadd.f32 v10, v6;
	[tilespmem:s2+$0x10] =	vst v4  }
0x88: {  	v61 =	vmul.f32 $3.162277530e+02, v13;
	v60 =	vadd.f32 v12, v57;
	[tilespmem:s2+$0x30] =	vst v59  }
0x89: {  	v62 =	vmul.f32 $3.162277530e+02, v55;
	v1 =	vadd.f32 v7, v58;
	[tilespmem:s2+$0x70] =	vst v6  }
.Ltmp3:
0x8a: {  	s31 =	sadd.s32 s5, s28;
	v0 =	vadd.f32 v0, v61;
	[tilespmem:s2+$0x40] =	vst v60;
	(pc) =	sbr.rel @p0 .LBB2_10-.Ltmp3, $4  }
0x8b: {  	s0 =	smul.u32 $0x680, s31;
	v63 =	vadd.f32 v56, v62;
	[tilespmem:s2+$0x50] =	vst v1  }
0x8c: {  	[tilespmem:s2+$0x60] =	vst v0  }
0x8d: {  	s0 =	sadd.s32 s6, s0;
	[tilespmem:s2+$0x20] =	vst v63  }
0x8e: {  	[hbm4b:s0+s4] =	stream.linear.scatter [tilespmem:s17], [sflag:$0x4], $0x3200, $0x38;
	[tilespmem:$0x1BC00] =	vst v63  }
0x8f: {  	s0 =	smul.u32 $0x600, s26  }
0x90: {  	_ =	swait.ge [sflag:s21], $0x3200  }
0x91: {  	[sflag:s21] =	ssyncset.done $0x0;
	s30 =	sshra.s32 s0, $0x2  }
0x92: {  	p0 =	seq.s32 s26, $0x0;
	[sflag:s21] =	ssyncadd.s32 $0xFFFFCE00;
	s0 =	sadd.s32 $0x180, s30  }
0x93: {  	[tilespmem:s13], [sflag:$0x1] =	stream.indirect.gather [hbm4b:s1+s12], $0x80, s0, s12, $0xb8;
	[tilespmem:$0x1BC00] =	vst v63  }
0x94: {  	s31 =	sadd.s32 $0x1, s28;
	s0 =	simm.s32 @!p0 $0x5  }
0x95: {  	s2 =	sand.u32 $0x1, s31;
	_ =	swait.ge @!p0 [sflag:s0], $0x3200  }
0x96: {  	s7 =	simm.s32 $0x5280;
	p1 =	seq.s32 s2, $0x1;
	[sflag:s0] =	ssyncset.done @!p0 $0x0  }
0x97: {  	s7 =	simm.s32 @!p1 $0x2080;
	[sflag:s0] =	ssyncadd.s32 @!p0 $0xFFFFCE00  }
0x98: {  	v0 =	vld [tilespmem:s7+$0xFFFFFFA0]  }
0x99: {  	s2 =	simm.s32 $0xB880;
	v1 =	vld [tilespmem:s7+$0xFFFFFFD0]  }
0x9a: {  	v2 =	vld [tilespmem:s2+$0xFFFFFFE0]  }
0x9b: {  	v3 =	vld [tilespmem:s2+$0xFFFFFFD0]  }
0x9c: {  	v4 =	vld [tilespmem:s7+$0xFFFFFF90]  }
0x9d: {  	v5 =	vld [tilespmem:s7+$0xFFFFFFB0]  }
0x9e: {  	v7 =	vld [tilespmem:s2+$0xFFFFFFB0]  }
0x9f: {  	v8 =	vld [tilespmem:s2+$0xFFFFFFA0]  }
0xa0: {  	v6 =	vld [tilespmem:s2+$0xFFFFFF90]  }
0xa1: {  	v10 =	vld [tilespmem:s7+$0xFFFFFFE0]  }
0xa2: {  	v11 =	vld [tilespmem:s2+$0xFFFFFFC0]  }
0xa3: {  	v12 =	vld [tilespmem:s7+$0xFFFFFFC0];
	v7 =	vmul.f32 $3.162277530e+02, v7  }
0xa4: {  	v13 =	vld [tilespmem:s2+$0xFFFFFF80];
	v8 =	vmul.f32 $3.162277530e+02, v8  }
0xa5: {  	v2 =	vmul.f32 $3.162277530e+02, v2;
	v5 =	vadd.f32 v5, v7;
	v7 =	vld [tilespmem:s2+$0xFFFFFFF0]  }
0xa6: {  	s11 =	simm.s32 $0x15480;
	v62 =	vld [tilespmem:s7+$0xFFFFFF80];
	v6 =	vmul.f32 $3.162277530e+02, v6;
	v0 =	vadd.f32 v0, v8  }
0xa7: {  	v9 =	vld [tilespmem:s7+$0xFFFFFFF0];
	v3 =	vmul.f32 $3.162277530e+02, v3;
	v2 =	vadd.f32 v10, v2;
	[tilespmem:s11+$0xFFFFFFB0] =	vst v5  }
0xa8: {  	v63 =	vmul.f32 $3.162277530e+02, v11;
	v4 =	vadd.f32 v4, v6;
	[tilespmem:s11+$0xFFFFFFA0] =	vst v0  }
0xa9: {  	v1 =	vadd.f32 v1, v3;
	v0 =	vmul.f32 $3.162277530e+02, v13;
	[tilespmem:s11+$0xFFFFFFE0] =	vst v2  }
0xaa: {  	v5 =	vadd.f32 v12, v63;
	[tilespmem:s11+$0xFFFFFF90] =	vst v4;
	v2 =	vmul.f32 $3.162277530e+02, v7  }
0xab: {  	[tilespmem:s11+$0xFFFFFFD0] =	vst v1;
	v0 =	vadd.f32 v62, v0  }
0xac: {  	[tilespmem:s11+$0xFFFFFFC0] =	vst v5;
	v2 =	vadd.f32 v9, v2  }
0xad: {  	[tilespmem:s11+$0xFFFFFF80] =	vst v0  }
0xae: {  	[tilespmem:s11+$0xFFFFFFF0] =	vst v2  }
0xaf: {  	v1 =	vld [tilespmem:s2+$0x0]  }
0xb0: {  	v4 =	vld [tilespmem:s2+$0x10]  }
0xb1: {  	v0 =	vld [tilespmem:s7+$0x60]  }
0xb2: {  	s14 =	simm.s32 $0x0;
	v3 =	vld [tilespmem:s2+$0x30]  }
0xb3: {  	s15 =	simm.s32 $0xB980;
	s3 =	simm.s32 $0x15480;
	s0 =	smov.u32 s7;
	v2 =	vld [tilespmem:s2+$0x50]  }
.LBB2_6:
0xb4: {  	s14 =	sadd.s32 $0x2, s14;
	v5 =	vld [tilespmem:s7+$0x0];
	s0 =	sadd.s32 $0x100, s0;
	s11 =	sadd.s32 $0x100, s11  }
0xb5: {  	p0 =	slt.u32 s14, $0x62;
	v6 =	vld [tilespmem:s2+$0x70];
	v4 =	vmul.f32 $3.162277530e+02, v4  }
0xb6: {  	v7 =	vld [tilespmem:s7+$0x50]  }
0xb7: {  	v8 =	vld [tilespmem:s7+$0x10];
	v3 =	vmul.f32 $3.162277530e+02, v3  }
0xb8: {  	v9 =	vld [tilespmem:s7+$0x30]  }
0xb9: {  	v2 =	vmul.f32 $3.162277530e+02, v2;
	v10 =	vld [tilespmem:s7+$0x70]  }
0xba: {  	v11 =	vld [tilespmem:s2+$0x40]  }
0xbb: {  	v1 =	vmul.f32 $3.162277530e+02, v1;
	v12 =	vld [tilespmem:s7+$0x20];
	v2 =	vadd.f32 v7, v2  }
0xbc: {  	v6 =	vmul.f32 $3.162277530e+02, v6;
	v7 =	vld [tilespmem:s7+$0x40];
	v4 =	vadd.f32 v8, v4;
	s7 =	smov.u32 s0  }
0xbd: {  	v1 =	vadd.f32 v5, v1;
	v8 =	vld [tilespmem:s2+$0x60];
	v3 =	vadd.f32 v9, v3  }
0xbe: {  	v5 =	vld [tilespmem:s2+$0x20];
	v6 =	vadd.f32 v10, v6;
	s2 =	smov.u32 s15  }
0xbf: {  	v9 =	vmul.f32 $3.162277530e+02, v11;
	[tilespmem:s3+$0x0] =	vst v1  }
0xc0: {  	[tilespmem:s3+$0x70] =	vst v6  }
0xc1: {  	v1 =	vadd.f32 v7, v9;
	[tilespmem:s3+$0x10] =	vst v4  }
0xc2: {  	v4 =	vmul.f32 $3.162277530e+02, v8;
	[tilespmem:s3+$0x30] =	vst v3  }
0xc3: {  	v3 =	vmul.f32 $3.162277530e+02, v5;
	[tilespmem:s3+$0x40] =	vst v1  }
0xc4: {  	v0 =	vadd.f32 v0, v4;
	[tilespmem:s3+$0x50] =	vst v2  }
0xc5: {  	v1 =	vadd.f32 v12, v3  }
0xc6: {  	[tilespmem:s3+$0x60] =	vst v0  }
0xc7: {  	[tilespmem:s3+$0x20] =	vst v1;
	s3 =	smov.u32 s11  }
0xc8: {  	v0 =	vld [tilespmem:s0+$0xFFFFFFA0]  }
0xc9: {  	v1 =	vld [tilespmem:s0+$0xFFFFFFD0]  }
0xca: {  	v2 =	vld [tilespmem:s15+$0xFFFFFFE0]  }
0xcb: {  	v3 =	vld [tilespmem:s15+$0xFFFFFFD0]  }
0xcc: {  	v4 =	vld [tilespmem:s0+$0xFFFFFF90]  }
0xcd: {  	v5 =	vld [tilespmem:s0+$0xFFFFFFB0]  }
0xce: {  	v6 =	vld [tilespmem:s15+$0xFFFFFF90]  }
0xcf: {  	v7 =	vld [tilespmem:s15+$0xFFFFFFB0]  }
0xd0: {  	v8 =	vld [tilespmem:s15+$0xFFFFFFA0]  }
0xd1: {  	v9 =	vld [tilespmem:s0+$0xFFFFFFF0]  }
0xd2: {  	v10 =	vld [tilespmem:s0+$0xFFFFFFE0]  }
0xd3: {  	v3 =	vmul.f32 $3.162277530e+02, v3;
	v11 =	vld [tilespmem:s15+$0xFFFFFFC0]  }
0xd4: {  	v2 =	vmul.f32 $3.162277530e+02, v2;
	v12 =	vld [tilespmem:s0+$0xFFFFFFC0];
	v7 =	vmul.f32 $3.162277530e+02, v7  }
0xd5: {  	v1 =	vadd.f32 v1, v3;
	v13 =	vld [tilespmem:s15+$0xFFFFFF80];
	v8 =	vmul.f32 $3.162277530e+02, v8  }
0xd6: {  	v3 =	vld [tilespmem:s15+$0xFFFFFFF0];
	v5 =	vadd.f32 v5, v7  }
0xd7: {  	v6 =	vmul.f32 $3.162277530e+02, v6;
	v7 =	vld [tilespmem:s0+$0xFFFFFF80];
	v0 =	vadd.f32 v0, v8;
	v2 =	vadd.f32 v10, v2  }
0xd8: {  	v8 =	vmul.f32 $3.162277530e+02, v11;
	[tilespmem:s11+$0xFFFFFFB0] =	vst v5  }
0xd9: {  	v4 =	vadd.f32 v4, v6;
	[tilespmem:s11+$0xFFFFFFA0] =	vst v0  }
0xda: {  	v0 =	vmul.f32 $3.162277530e+02, v13;
	v5 =	vadd.f32 v12, v8;
	[tilespmem:s11+$0xFFFFFFE0] =	vst v2  }
0xdb: {  	v2 =	vmul.f32 $3.162277530e+02, v3;
	[tilespmem:s11+$0xFFFFFF90] =	vst v4  }
0xdc: {  	v0 =	vadd.f32 v7, v0;
	[tilespmem:s11+$0xFFFFFFC0] =	vst v5  }
0xdd: {  	v2 =	vadd.f32 v9, v2;
	[tilespmem:s11+$0xFFFFFFD0] =	vst v1  }
0xde: {  	[tilespmem:s11+$0xFFFFFF80] =	vst v0  }
0xdf: {  	[tilespmem:s11+$0xFFFFFFF0] =	vst v2  }
.Ltmp4:
0xe0: {  	v1 =	vld [tilespmem:s15+$0x0];
	(pc) =	sbr.rel @p0 .LBB2_6-.Ltmp4, $4  }
0xe1: {  	v4 =	vld [tilespmem:s15+$0x10]  }
0xe2: {  	v0 =	vld [tilespmem:s0+$0x60]  }
0xe3: {  	v3 =	vld [tilespmem:s15+$0x30]  }
0xe4: {  	s15 =	sadd.s32 $0x100, s15;
	v2 =	vld [tilespmem:s2+$0x50]  }
0xe5: {  	v5 =	vld [tilespmem:s7+$0x0]  }
0xe6: {  	v6 =	vld [tilespmem:s2+$0x70]  }
0xe7: {  	v7 =	vld [tilespmem:s7+$0x50]  }
0xe8: {  	v8 =	vld [tilespmem:s7+$0x10]  }
0xe9: {  	v9 =	vld [tilespmem:s7+$0x30]  }
0xea: {  	v10 =	vld [tilespmem:s7+$0x70]  }
0xeb: {  	v11 =	vld [tilespmem:s2+$0x40]  }
0xec: {  	v1 =	vmul.f32 $3.162277530e+02, v1;
	v12 =	vld [tilespmem:s7+$0x40]  }
0xed: {  	v13 =	vld [tilespmem:s2+$0x60];
	v4 =	vmul.f32 $3.162277530e+02, v4  }
0xee: {  	v6 =	vmul.f32 $3.162277530e+02, v6;
	v1 =	vadd.f32 v5, v1;
	v5 =	vld [tilespmem:s2+$0x20]  }
0xef: {  	v3 =	vmul.f32 $3.162277530e+02, v3;
	v4 =	vadd.f32 v8, v4  }
0xf0: {  	v54 =	vld [tilespmem:s7+$0x20];
	v55 =	vmul.f32 $3.162277530e+02, v11;
	v6 =	vadd.f32 v10, v6;
	[tilespmem:s3+$0x0] =	vst v1  }
0xf1: {  	v1 =	vmul.f32 $3.162277530e+02, v2;
	v2 =	vadd.f32 v9, v3;
	[tilespmem:s3+$0x10] =	vst v4  }
0xf2: {  	v3 =	vadd.f32 v12, v55;
	v4 =	vmul.f32 $3.162277530e+02, v13;
	[tilespmem:s3+$0x70] =	vst v6  }
0xf3: {  	v1 =	vadd.f32 v7, v1;
	[tilespmem:s3+$0x30] =	vst v2;
	v2 =	vmul.f32 $3.162277530e+02, v5  }
0xf4: {  	s0 =	sadd.s32 s5, s31;
	[tilespmem:s3+$0x40] =	vst v3;
	v0 =	vadd.f32 v0, v4  }
0xf5: {  	s0 =	smul.u32 $0x680, s0;
	[tilespmem:s3+$0x50] =	vst v1;
	v1 =	vadd.f32 v54, v2  }
0xf6: {  	[tilespmem:s3+$0x60] =	vst v0  }
0xf7: {  	s0 =	sadd.s32 s6, s0;
	[tilespmem:s3+$0x20] =	vst v1  }
0xf8: {  	[hbm4b:s0+s4] =	stream.linear.scatter [tilespmem:s22], [sflag:$0x5], $0x3200, $0x38;
	[tilespmem:$0x1BC00] =	vst v63  }
0xf9: {  	p0 =	sgt.u32 s26, $0x13;
	_ =	swait.ge [sflag:s23], $0x3200  }
0xfa: {  	p1 =	seq.s32 @!p0 s26, $0x0;
	s2 =	simm.s32 @!p0 $0x64;
	[sflag:s23] =	ssyncset.done $0x0  }
0xfb: {  	s3 =	simm.s32 @!p0 $0xB800;
	s0 =	sadd.s32 @!p0 $0x200, s30;
	[sflag:s23] =	ssyncadd.s32 $0xFFFFCE00  }
0xfc: {  	[tilespmem:s3], [sflag:$0x2] =	stream.indirect.gather @!p0 [hbm4b:s1+s2], $0x80, s0, s2, $0xb8;
	[tilespmem:$0x1BC00] =	vst v63  }
0xfd: {  	p0 =	por p0, !p1  }
0xfe: {  	_ =	swait.ge @p0 [sflag:s19], $0x3200  }
0xff: {  	[sflag:s19] =	ssyncset.done @p0 $0x0  }
0x100: {  	[sflag:s19] =	ssyncadd.s32 @p0 $0xFFFFCE00  }
0x101: {  	v0 =	vld [tilespmem:s29+$0xFFFFFFA0]  }
0x102: {  	s0 =	simm.s32 $0xEC80;
	v1 =	vld [tilespmem:s29+$0xFFFFFFD0]  }
0x103: {  	v2 =	vld [tilespmem:s0+$0xFFFFFFE0]  }
0x104: {  	v3 =	vld [tilespmem:s0+$0xFFFFFFD0]  }
0x105: {  	v4 =	vld [tilespmem:s29+$0xFFFFFF90]  }
0x106: {  	v5 =	vld [tilespmem:s29+$0xFFFFFFB0]  }
0x107: {  	v7 =	vld [tilespmem:s0+$0xFFFFFFB0]  }
0x108: {  	v56 =	vld [tilespmem:s0+$0xFFFFFFA0]  }
0x109: {  	v6 =	vld [tilespmem:s0+$0xFFFFFF90]  }
0x10a: {  	v58 =	vld [tilespmem:s29+$0xFFFFFFE0]  }
0x10b: {  	v59 =	vld [tilespmem:s0+$0xFFFFFFC0]  }
0x10c: {  	v60 =	vld [tilespmem:s29+$0xFFFFFFC0];
	v7 =	vmul.f32 $3.162277530e+02, v7  }
0x10d: {  	v61 =	vld [tilespmem:s0+$0xFFFFFF80];
	v8 =	vmul.f32 $3.162277530e+02, v56  }
0x10e: {  	v2 =	vmul.f32 $3.162277530e+02, v2;
	v5 =	vadd.f32 v5, v7;
	v7 =	vld [tilespmem:s0+$0xFFFFFFF0]  }
0x10f: {  	s3 =	simm.s32 $0x18880;
	v62 =	vld [tilespmem:s29+$0xFFFFFF80];
	v6 =	vmul.f32 $3.162277530e+02, v6;
	v0 =	vadd.f32 v0, v8  }
0x110: {  	v57 =	vld [tilespmem:s29+$0xFFFFFFF0];
	v3 =	vmul.f32 $3.162277530e+02, v3;
	v2 =	vadd.f32 v58, v2;
	[tilespmem:s3+$0xFFFFFFB0] =	vst v5  }
0x111: {  	v63 =	vmul.f32 $3.162277530e+02, v59;
	v4 =	vadd.f32 v4, v6;
	[tilespmem:s3+$0xFFFFFFA0] =	vst v0  }
0x112: {  	v1 =	vadd.f32 v1, v3;
	v0 =	vmul.f32 $3.162277530e+02, v61;
	[tilespmem:s3+$0xFFFFFFE0] =	vst v2  }
0x113: {  	v5 =	vadd.f32 v60, v63;
	[tilespmem:s3+$0xFFFFFF90] =	vst v4;
	v2 =	vmul.f32 $3.162277530e+02, v7  }
0x114: {  	[tilespmem:s3+$0xFFFFFFD0] =	vst v1;
	v0 =	vadd.f32 v62, v0  }
0x115: {  	[tilespmem:s3+$0xFFFFFFC0] =	vst v5;
	v2 =	vadd.f32 v57, v2  }
0x116: {  	[tilespmem:s3+$0xFFFFFF80] =	vst v0  }
0x117: {  	[tilespmem:s3+$0xFFFFFFF0] =	vst v2  }
0x118: {  	v1 =	vld [tilespmem:s0+$0x0]  }
0x119: {  	v4 =	vld [tilespmem:s0+$0x10]  }
0x11a: {  	v0 =	vld [tilespmem:s29+$0x60]  }
0x11b: {  	s11 =	simm.s32 $0x0;
	v3 =	vld [tilespmem:s0+$0x30]  }
0x11c: {  	s14 =	simm.s32 $0xED80;
	s7 =	smov.u32 s29;
	s2 =	simm.s32 $0x18880;
	v2 =	vld [tilespmem:s0+$0x50]  }
.LBB2_8:
0x11d: {  	s11 =	sadd.s32 $0x2, s11;
	v5 =	vld [tilespmem:s29+$0x0];
	s7 =	sadd.s32 $0x100, s7;
	s3 =	sadd.s32 $0x100, s3  }
0x11e: {  	p0 =	slt.u32 s11, $0x62;
	v6 =	vld [tilespmem:s0+$0x70];
	v4 =	vmul.f32 $3.162277530e+02, v4  }
0x11f: {  	v7 =	vld [tilespmem:s29+$0x50]  }
0x120: {  	v8 =	vld [tilespmem:s29+$0x10];
	v3 =	vmul.f32 $3.162277530e+02, v3  }
0x121: {  	v9 =	vld [tilespmem:s29+$0x30]  }
0x122: {  	v2 =	vmul.f32 $3.162277530e+02, v2;
	v10 =	vld [tilespmem:s29+$0x70]  }
0x123: {  	v11 =	vld [tilespmem:s0+$0x40]  }
0x124: {  	v1 =	vmul.f32 $3.162277530e+02, v1;
	v12 =	vld [tilespmem:s29+$0x20];
	v2 =	vadd.f32 v7, v2  }
0x125: {  	v6 =	vmul.f32 $3.162277530e+02, v6;
	v7 =	vld [tilespmem:s29+$0x40];
	v4 =	vadd.f32 v8, v4;
	s29 =	smov.u32 s7  }
0x126: {  	v1 =	vadd.f32 v5, v1;
	v8 =	vld [tilespmem:s0+$0x60];
	v3 =	vadd.f32 v9, v3  }
0x127: {  	v5 =	vld [tilespmem:s0+$0x20];
	v6 =	vadd.f32 v10, v6;
	s0 =	smov.u32 s14  }
0x128: {  	v9 =	vmul.f32 $3.162277530e+02, v11;
	[tilespmem:s2+$0x0] =	vst v1  }
0x129: {  	[tilespmem:s2+$0x70] =	vst v6  }
0x12a: {  	v1 =	vadd.f32 v7, v9;
	[tilespmem:s2+$0x10] =	vst v4  }
0x12b: {  	v4 =	vmul.f32 $3.162277530e+02, v8;
	[tilespmem:s2+$0x30] =	vst v3  }
0x12c: {  	v3 =	vmul.f32 $3.162277530e+02, v5;
	[tilespmem:s2+$0x40] =	vst v1  }
0x12d: {  	v0 =	vadd.f32 v0, v4;
	[tilespmem:s2+$0x50] =	vst v2  }
0x12e: {  	v1 =	vadd.f32 v12, v3  }
0x12f: {  	[tilespmem:s2+$0x60] =	vst v0  }
0x130: {  	[tilespmem:s2+$0x20] =	vst v1;
	s2 =	smov.u32 s3  }
0x131: {  	v0 =	vld [tilespmem:s7+$0xFFFFFFA0]  }
0x132: {  	v1 =	vld [tilespmem:s7+$0xFFFFFFD0]  }
0x133: {  	v2 =	vld [tilespmem:s14+$0xFFFFFFE0]  }
0x134: {  	v3 =	vld [tilespmem:s14+$0xFFFFFFD0]  }
0x135: {  	v4 =	vld [tilespmem:s7+$0xFFFFFF90]  }
0x136: {  	v5 =	vld [tilespmem:s7+$0xFFFFFFB0]  }
0x137: {  	v6 =	vld [tilespmem:s14+$0xFFFFFF90]  }
0x138: {  	v7 =	vld [tilespmem:s14+$0xFFFFFFB0]  }
0x139: {  	v8 =	vld [tilespmem:s14+$0xFFFFFFA0]  }
0x13a: {  	v9 =	vld [tilespmem:s7+$0xFFFFFFF0]  }
0x13b: {  	v10 =	vld [tilespmem:s7+$0xFFFFFFE0]  }
0x13c: {  	v3 =	vmul.f32 $3.162277530e+02, v3;
	v11 =	vld [tilespmem:s14+$0xFFFFFFC0]  }
0x13d: {  	v2 =	vmul.f32 $3.162277530e+02, v2;
	v12 =	vld [tilespmem:s7+$0xFFFFFFC0];
	v7 =	vmul.f32 $3.162277530e+02, v7  }
0x13e: {  	v1 =	vadd.f32 v1, v3;
	v13 =	vld [tilespmem:s14+$0xFFFFFF80];
	v8 =	vmul.f32 $3.162277530e+02, v8  }
0x13f: {  	v3 =	vld [tilespmem:s14+$0xFFFFFFF0];
	v5 =	vadd.f32 v5, v7  }
0x140: {  	v6 =	vmul.f32 $3.162277530e+02, v6;
	v7 =	vld [tilespmem:s7+$0xFFFFFF80];
	v0 =	vadd.f32 v0, v8;
	v2 =	vadd.f32 v10, v2  }
0x141: {  	v8 =	vmul.f32 $3.162277530e+02, v11;
	[tilespmem:s3+$0xFFFFFFB0] =	vst v5  }
0x142: {  	v4 =	vadd.f32 v4, v6;
	[tilespmem:s3+$0xFFFFFFA0] =	vst v0  }
0x143: {  	v0 =	vmul.f32 $3.162277530e+02, v13;
	v5 =	vadd.f32 v12, v8;
	[tilespmem:s3+$0xFFFFFFE0] =	vst v2  }
0x144: {  	v2 =	vmul.f32 $3.162277530e+02, v3;
	[tilespmem:s3+$0xFFFFFF90] =	vst v4  }
0x145: {  	v0 =	vadd.f32 v7, v0;
	[tilespmem:s3+$0xFFFFFFC0] =	vst v5  }
0x146: {  	v2 =	vadd.f32 v9, v2;
	[tilespmem:s3+$0xFFFFFFD0] =	vst v1  }
0x147: {  	[tilespmem:s3+$0xFFFFFF80] =	vst v0  }
0x148: {  	[tilespmem:s3+$0xFFFFFFF0] =	vst v2  }
.Ltmp5:
0x149: {  	v1 =	vld [tilespmem:s14+$0x0];
	(pc) =	sbr.rel @p0 .LBB2_8-.Ltmp5, $4  }
0x14a: {  	v4 =	vld [tilespmem:s14+$0x10]  }
0x14b: {  	v0 =	vld [tilespmem:s7+$0x60]  }
0x14c: {  	v3 =	vld [tilespmem:s14+$0x30]  }
0x14d: {  	s14 =	sadd.s32 $0x100, s14;
	v2 =	vld [tilespmem:s0+$0x50]  }
0x14e: {  	v5 =	vld [tilespmem:s29+$0x0]  }
0x14f: {  	v6 =	vld [tilespmem:s0+$0x70]  }
0x150: {  	v7 =	vld [tilespmem:s29+$0x50]  }
0x151: {  	v8 =	vld [tilespmem:s29+$0x10]  }
0x152: {  	v9 =	vld [tilespmem:s29+$0x30]  }
0x153: {  	v10 =	vld [tilespmem:s29+$0x70]  }
0x154: {  	v11 =	vld [tilespmem:s0+$0x40]  }
0x155: {  	v1 =	vmul.f32 $3.162277530e+02, v1;
	v12 =	vld [tilespmem:s29+$0x40]  }
0x156: {  	v13 =	vld [tilespmem:s0+$0x60];
	v4 =	vmul.f32 $3.162277530e+02, v4  }
0x157: {  	v55 =	vld [tilespmem:s0+$0x20];
	v3 =	vmul.f32 $3.162277530e+02, v3;
	v1 =	vadd.f32 v5, v1  }
0x158: {  	v6 =	vmul.f32 $3.162277530e+02, v6;
	v4 =	vadd.f32 v8, v4  }
0x159: {  	v56 =	vld [tilespmem:s29+$0x20];
	v57 =	vmul.f32 $3.162277530e+02, v11;
	v59 =	vadd.f32 v9, v3;
	[tilespmem:s2+$0x0] =	vst v1  }
0x15a: {  	v58 =	vmul.f32 $3.162277530e+02, v2;
	v6 =	vadd.f32 v10, v6;
	[tilespmem:s2+$0x10] =	vst v4  }
0x15b: {  	s31 =	sadd.s32 s28, s8;
	s26 =	sadd.s32 $0x1, s26;
	v61 =	vmul.f32 $3.162277530e+02, v13;
	v60 =	vadd.f32 v12, v57;
	[tilespmem:s2+$0x30] =	vst v59  }
0x15c: {  	s0 =	smul.u32 $0x680, s31;
	p0 =	sne.s32 s26, $0x16;
	v62 =	vmul.f32 $3.162277530e+02, v55;
	v1 =	vadd.f32 v7, v58;
	[tilespmem:s2+$0x70] =	vst v6  }
.Ltmp6:
0x15d: {  	v0 =	vadd.f32 v0, v61;
	[tilespmem:s2+$0x40] =	vst v60;
	(pc) =	sbr.rel @p0 .LBB2_2-.Ltmp6, $4  }
.Ltmp7:
0x15e: {  	v63 =	vadd.f32 v56, v62;
	[tilespmem:s2+$0x50] =	vst v1;
	(pc) =	sbr.rel @!p0 .LBB2_10-.Ltmp7, $4  }
0x15f: {  	[tilespmem:s2+$0x60] =	vst v0  }
0x160: {  	s0 =	sadd.s32 s6, s0;
	[tilespmem:s2+$0x20] =	vst v63  }
0x161: {  	[hbm4b:s0+s4] =	stream.linear.scatter [tilespmem:s24], [sflag:$0x6], $0x3200, $0x38;
	[tilespmem:$0x1BC00] =	vst v63  }
0x162: {  	_ = 	snop  }
.LBB2_11:
0x163: {  	_ =	sfence.sel $0x180000  }
0x164: {  	[bflag:$0x0] =	sbarrier.arrive $0xFFFF  }
0x165: {  	_ =	strace $0x90000047  }
0x166: {  	s0 =	stileid.u32;
	[bflag:$0x2] =	sbarrier.arrive $0xFFFF  }
0x167: {  	p0 =	sne.s32 s0, $0x0;
	s0 =	rddreg [dreg:$0x4]  }
0x168: {  	s0 =	sadd.s32 @!p0 $0x100000, s0  }
0x169: {  	[sflag:s0] =	ssyncadd.tile.s32 @!p0 $0x1;
	_ =	shalt  }
.Lfunc_end2:
_tile_overlayer_lowered:
.L_overlay_start_2:
0x16a: {  	(tag) =	ssettag $0x2  }
0x16b: {  	s0 =	rddreg [dreg:$0x0];
	s2 =	stileid.u32  }
0x16c: {  	s1 =	rddreg [dreg:$0x1];
	p0 =	sne.s32 s2, $0x0  }
0x16d: {  	s3 =	rddreg [dreg:$0x2];
	[bflag:$0x3] =	sbarrier.arrive $0xFFFF;
	s2 =	simm.s32 @!p0 $0x1C07  }
0x16e: {  	[timem:s3], [sflag:s2] =	dma.local @!p0 [hbm:s0], s1  }
0x16f: {  	s0 =	simm.s32 @!p0 $0x7  }
0x170: {  	_ =	swait.ge @!p0 [sflag:s0], s1  }
0x171: {  	s1 =	ssub.s32 @!p0 $0x0, s1;
	[sflag:s0] =	ssyncset.done @!p0 $0x0  }
0x172: {  	[sflag:s0] =	ssyncadd.s32 @!p0 s1  }
0x173: {  	[bflag:$0x3] =	sbarrier.arrive $0xFFFF  }
0x174: {  	_ =	shalt  }

</sc_bundles>
